<compile_context>
chip_gen: v7x
topology: tpu7x:2x2x1
jax: 0.10.2.dev20260603
libtpu: 0.0.44.dev20260713+nightly
codegen_flags: <defaults>
</compile_context>

<pallas_src>
import functools

import jax
import jax.numpy as jnp
from jax import lax
from jax.experimental import pallas as pl
from jax.experimental.pallas import tpu as pltpu
from jax.experimental.pallas import tpu_sc as plsc

B, H, W = 16, 512, 512
NPOS, NNEG = 256, 256
PTS_PER_B = NPOS + NNEG
P = B * PTS_PER_B
NW = 32
PPW = P // NW
LANES = 16
GCHUNK = 128


def _sc_sample_kernel():
    mesh = plsc.VectorSubcoreMesh(core_axis_name="c", subcore_axis_name="s")

    @functools.partial(
        pl.kernel,
        mesh=mesh,
        out_type=jax.ShapeDtypeStruct((P,), jnp.float32),
        scratch_types=[
            pltpu.VMEM((PPW,), jnp.int32),
            pltpu.VMEM((PPW,), jnp.int32),
            pltpu.VMEM((PPW,), jnp.float32),
            pltpu.SemaphoreType.DMA,
        ],
    )
    def sample(mask_hbm, pos_hbm, neg_hbm, out_hbm, ptv, idxv, sv, sem):
        c = lax.axis_index("c")
        s = lax.axis_index("s")
        wid = s * 2 + c
        base_pt = wid * PPW
        batch = wid // 2
        half = wid % 2
        mask_base = batch * (H * W)

        coord_base = batch * PPW

        @pl.when(half == 0)
        def _():
            pltpu.sync_copy(pos_hbm.at[pl.ds(coord_base, PPW)], ptv)

        @pl.when(half == 1)
        def _():
            pltpu.sync_copy(neg_hbm.at[pl.ds(coord_base, PPW)], ptv)

        for j in range(PPW // LANES):
            v = ptv[pl.ds(j * LANES, LANES)]
            x = v & 0xFFFF
            y = v >> 16
            idxv[pl.ds(j * LANES, LANES)] = (
                mask_base + ((y >> 3) << 12) + ((y & 7) << 7)
                + ((x >> 7) << 10) + (x & 127))

        copies = []
        for k in range(PPW // GCHUNK):
            gsl = pl.ds(k * GCHUNK, GCHUNK)
            copies.append(
                pltpu.async_copy(mask_hbm.at[idxv.at[gsl]], sv.at[gsl], sem))
        for cp in copies:
            cp.wait()

        pltpu.sync_copy(sv, out_hbm.at[pl.ds(base_pt, PPW)])

    return sample


_sc_sample = _sc_sample_kernel()

_ROWS, _COLS = P // 128, 128


def _bce_mean_body(s_ref, o_ref):
    s = s_ref[...]
    row = lax.broadcasted_iota(jnp.int32, (_ROWS, _COLS), 0)
    tgt = jnp.where((row & 3) < 2, 1.0, 0.0)
    bce = jnp.maximum(s, 0.0) - s * tgt + jnp.log1p(jnp.exp(-jnp.abs(s)))
    o_ref[...] = (jnp.sum(bce) * (1.0 / float(P))).reshape(1, 1)


def kernel(pred_mask, positive_points, negative_points):
    mask_flat = (
        pred_mask.reshape(B, 1, H // 8, 8, W // 128, 128)
        .transpose(0, 1, 2, 4, 3, 5)
        .reshape(-1)
    )
    pp = positive_points.astype(jnp.int32)
    np_ = negative_points.astype(jnp.int32)
    pos_flat = (pp[:, :, 0] | (pp[:, :, 1] << 16)).reshape(-1)
    neg_flat = (np_[:, :, 0] | (np_[:, :, 1] << 16)).reshape(-1)

    samples = _sc_sample(mask_flat, pos_flat, neg_flat)

    loss = pl.pallas_call(
        _bce_mean_body,
        out_shape=jax.ShapeDtypeStruct((1, 1), jnp.float32),
    )(samples.reshape(_ROWS, _COLS))
    return loss[0, 0]

# --- scband reference (transcript-rebuilt; emitter-appended) ---
"""Pipeline reference for scband-point-click-loss-3229815407132 (READ-ONLY COPY).

The authoritative reference and input builder live on the scoring server;
editing this copy changes nothing except your own understanding.
"""

import jax, jax.numpy as jnp
import numpy as np

B, C, H, W = 16, 1, 512, 512
NPOS, NNEG = 256, 256

def setup_inputs(seed: int = 0) -> dict:
    key = jax.random.key(seed)
    k1, k2, k3 = jax.random.split(key, 3)
    pred_mask = jax.random.normal(k1, (B, C, H, W), dtype=jnp.float32)
    positive_points = jax.random.randint(k2, (B, NPOS, 2), 0, 512, dtype=jnp.int64 if jax.config.jax_enable_x64 else jnp.int32)
    negative_points = jax.random.randint(k3, (B, NNEG, 2), 0, 512, dtype=jnp.int64 if jax.config.jax_enable_x64 else jnp.int32)
    return {"pred_mask": pred_mask, "positive_points": positive_points, "negative_points": negative_points}

def _grid_sample_points(mask2d, pts):
    # mask2d: [H, W]; pts: [N, 2] (x, y) pixel coords
    pts = pts.astype(jnp.float32)
    # normalize to [-1, 1] as in the torch module
    xn = 2.0 * pts[:, 0] / (W - 1) - 1.0
    yn = 2.0 * pts[:, 1] / (H - 1) - 1.0
    # grid_sample align_corners=True unnormalization
    ix = (xn + 1.0) / 2.0 * (W - 1)
    iy = (yn + 1.0) / 2.0 * (H - 1)
    x0 = jnp.floor(ix).astype(jnp.int32)
    y0 = jnp.floor(iy).astype(jnp.int32)
    x1 = x0 + 1
    y1 = y0 + 1
    wx1 = ix - x0.astype(jnp.float32)
    wx0 = 1.0 - wx1
    wy1 = iy - y0.astype(jnp.float32)
    wy0 = 1.0 - wy1
    def gather(yy, xx):
        inb = (xx >= 0) & (xx <= W - 1) & (yy >= 0) & (yy <= H - 1)
        v = mask2d[jnp.clip(yy, 0, H - 1), jnp.clip(xx, 0, W - 1)]
        return jnp.where(inb, v, 0.0)  # padding_mode='zeros'
    out = (wy0 * wx0 * gather(y0, x0) + wy0 * wx1 * gather(y0, x1)
           + wy1 * wx0 * gather(y1, x0) + wy1 * wx1 * gather(y1, x1))
    return out

def _bce_with_logits(x, target):
    # numerically stable BCEWithLogits: max(x,0) - x*t + log(1+exp(-|x|))
    return jnp.maximum(x, 0.0) - x * target + jnp.log1p(jnp.exp(-jnp.abs(x)))

def reference(pred_mask, positive_points, negative_points):
    pm = pred_mask
    if pm.ndim == 3:
        pm = pm[:, None, :, :]
    masks = pm[:, 0, :, :]  # [B, H, W]
    def per_batch(mask2d, pos_pts, neg_pts):
        s_pos = _grid_sample_points(mask2d, pos_pts)
        pos_loss = _bce_with_logits(s_pos, 1.0).mean()
        s_neg = _grid_sample_points(mask2d, neg_pts)
        neg_loss = _bce_with_logits(s_neg, 0.0).mean()
        return pos_loss, neg_loss
    pos_losses, neg_losses = jax.vmap(per_batch)(masks, positive_points, negative_points)
    total_loss = (pos_losses + neg_losses) / 2.0
    return total_loss.mean()  # reduction='mean'

if False:  # reference __main__ guard neutralized (emitter)
    out = reference(**setup_inputs())
    print(out)

if __name__ == "__main__":
    import jax
    _d = setup_inputs()
    print(jax.jit(kernel)(*tuple(_d.values())))

</pallas_src>

<mosaic_0001>
#map = affine_map<(d0, d1) -> (0)>
module attributes {stable_mosaic.version = 14 : i64} {
  func.func @sample(%arg0: i32, %arg1: i32, %arg2: memref<4194304xf32, #tpu.memory_space<hbm>>, %arg3: memref<4096xi32, #tpu.memory_space<hbm>>, %arg4: memref<4096xi32, #tpu.memory_space<hbm>>, %arg5: memref<8192xf32, #tpu.memory_space<hbm>>, %arg6: memref<256xi32, #tpu.memory_space<vmem>>, %arg7: memref<256xi32, #tpu.memory_space<vmem>>, %arg8: memref<256xf32, #tpu.memory_space<vmem>>, %arg9: memref<!tpu.dma_semaphore, #tpu.memory_space<semaphore_mem>>) attributes {dimension_semantics = [#tpu.dimension_semantics<core_parallel>, #tpu.dimension_semantics<subcore_parallel>], iteration_bounds = array<i64: 2, 16>, scalar_prefetch = 0 : i64, scratch_operands = 4 : i64, tpu.core_type = #tpu.core_type<sc_vector_subcore>, window_params = [{transform_indices = #map}, {transform_indices = #map}, {transform_indices = #map}, {transform_indices = #map}]} {
    %mul3A = arith.constant 2 : i32
    %mul3A_0 = arith.muli %arg1, %mul3A : i32
    %add3A = arith.addi %mul3A_0, %arg0 : i32
    %mul3A_1 = arith.constant 256 : i32
    %mul3A_2 = arith.muli %add3A, %mul3A_1 : i32
    %jit3A = arith.constant 2 : i32
    %div3A = arith.divsi %add3A, %jit3A : i32
    %sign3A = arith.constant 0 : i32
    %sign3A_3 = arith.cmpi sgt, %add3A, %sign3A : i32
    %sign3A_4 = arith.extui %sign3A_3 : i1 to i32
    %sign3A_5 = arith.constant 0 : i32
    %sign3A_6 = arith.cmpi slt, %add3A, %sign3A_5 : i32
    %sign3A_7 = arith.extui %sign3A_6 : i1 to i32
    %sign3A_8 = arith.subi %sign3A_4, %sign3A_7 : i32
    %sign3A_9 = arith.constant 0 : i32
    %sign3A_10 = arith.cmpi sgt, %jit3A, %sign3A_9 : i32
    %sign3A_11 = arith.extui %sign3A_10 : i1 to i32
    %sign3A_12 = arith.constant 0 : i32
    %sign3A_13 = arith.cmpi slt, %jit3A, %sign3A_12 : i32
    %sign3A_14 = arith.extui %sign3A_13 : i1 to i32
    %sign3A_15 = arith.subi %sign3A_11, %sign3A_14 : i32
    %ne3A = arith.cmpi ne, %sign3A_8, %sign3A_15 : i32
    %rem3A = arith.remsi %add3A, %jit3A : i32
    %ne3A_16 = arith.constant 0 : i32
    %ne3A_17 = arith.cmpi ne, %rem3A, %ne3A_16 : i32
    %and3A = arith.andi %ne3A, %ne3A_17 : i1
    %sub3A = arith.constant 1 : i32
    %sub3A_18 = arith.subi %div3A, %sub3A : i32
    %select_n3A = arith.select %and3A, %sub3A_18, %div3A : i32
    %jit3A_19 = arith.constant 2 : i32
    %eq3A = arith.constant 0 : i32
    %eq3A_20 = arith.cmpi eq, %jit3A_19, %eq3A : i32
    %jit3A_21 = arith.constant 1 : i32
    %select_n3A_22 = arith.select %eq3A_20, %jit3A_21, %jit3A_19 : i32
    %rem3A_23 = arith.remsi %add3A, %select_n3A_22 : i32
    %ne3A_24 = arith.constant 0 : i32
    %ne3A_25 = arith.cmpi ne, %rem3A_23, %ne3A_24 : i32
    %lt3A = arith.constant 0 : i32
    %lt3A_26 = arith.cmpi slt, %rem3A_23, %lt3A : i32
    %lt3A_27 = arith.constant 0 : i32
    %lt3A_28 = arith.cmpi slt, %select_n3A_22, %lt3A_27 : i32
    %ne3A_29 = arith.xori %lt3A_26, %lt3A_28 : i1
    %and3A_30 = arith.andi %ne3A_29, %ne3A_25 : i1
    %add3A_31 = arith.addi %rem3A_23, %select_n3A_22 : i32
    %select_n3A_32 = arith.select %and3A_30, %add3A_31, %rem3A_23 : i32
    %mul3A_33 = arith.constant 262144 : i32
    %mul3A_34 = arith.muli %select_n3A, %mul3A_33 : i32
    %mul3A_35 = arith.constant 256 : i32
    %mul3A_36 = arith.muli %select_n3A, %mul3A_35 : i32
    %eq3A_37 = arith.constant 0 : i32
    %eq3A_38 = arith.cmpi eq, %select_n3A_32, %eq3A_37 : i32
    %convert_element_type3A = arith.extui %eq3A_38 : i1 to i32
    %cond3A = arith.constant 0 : i32
    %cond3A_39 = arith.cmpi ne, %convert_element_type3A, %cond3A : i32
    scf.if %cond3A_39 {
      "tpu.region"() ({
        %run_scoped3A = tpu.sem_alloc : memref<!tpu.dma_semaphore, #tpu.memory_space<semaphore_mem>>
        %dma_start3A_687 = tpu.memref_slice %arg3[%mul3A_36] : memref<4096xi32, #tpu.memory_space<hbm>> -> memref<256xi32, #tpu.memory_space<hbm>>
        %dma_start3A_688 = tpu.memref_slice %arg3[%mul3A_36] : memref<4096xi32, #tpu.memory_space<hbm>> -> memref<256xi32, #tpu.memory_space<hbm>>
        tpu.enqueue_dma source(%dma_start3A_688 : memref<256xi32, #tpu.memory_space<hbm>>) target(%arg6 : memref<256xi32, #tpu.memory_space<vmem>>) target_semaphore(%run_scoped3A : memref<!tpu.dma_semaphore, #tpu.memory_space<semaphore_mem>>)
        %dma_wait3A_689 = tpu.memref_slice %arg3[%mul3A_36] : memref<4096xi32, #tpu.memory_space<hbm>> -> memref<256xi32, #tpu.memory_space<hbm>>
        %dma_wait3A_690 = tpu.memref_slice %arg3[%mul3A_36] : memref<4096xi32, #tpu.memory_space<hbm>> -> memref<256xi32, #tpu.memory_space<hbm>>
        tpu.wait_dma2 semaphore(%run_scoped3A : memref<!tpu.dma_semaphore, #tpu.memory_space<semaphore_mem>>) src(%dma_wait3A_690 : memref<256xi32, #tpu.memory_space<hbm>>) dst(%arg6 : memref<256xi32, #tpu.memory_space<vmem>>)
        tpu.yield
      }) : () -> ()
    } else {
    }
    %eq3A_40 = arith.constant 1 : i32
    %eq3A_41 = arith.cmpi eq, %select_n3A_32, %eq3A_40 : i32
    %convert_element_type3A_42 = arith.extui %eq3A_41 : i1 to i32
    %cond3A_43 = arith.constant 0 : i32
    %cond3A_44 = arith.cmpi ne, %convert_element_type3A_42, %cond3A_43 : i32
    scf.if %cond3A_44 {
      "tpu.region"() ({
        %run_scoped3A = tpu.sem_alloc : memref<!tpu.dma_semaphore, #tpu.memory_space<semaphore_mem>>
        %dma_start3A_687 = tpu.memref_slice %arg4[%mul3A_36] : memref<4096xi32, #tpu.memory_space<hbm>> -> memref<256xi32, #tpu.memory_space<hbm>>
        %dma_start3A_688 = tpu.memref_slice %arg4[%mul3A_36] : memref<4096xi32, #tpu.memory_space<hbm>> -> memref<256xi32, #tpu.memory_space<hbm>>
        tpu.enqueue_dma source(%dma_start3A_688 : memref<256xi32, #tpu.memory_space<hbm>>) target(%arg6 : memref<256xi32, #tpu.memory_space<vmem>>) target_semaphore(%run_scoped3A : memref<!tpu.dma_semaphore, #tpu.memory_space<semaphore_mem>>)
        %dma_wait3A_689 = tpu.memref_slice %arg4[%mul3A_36] : memref<4096xi32, #tpu.memory_space<hbm>> -> memref<256xi32, #tpu.memory_space<hbm>>
        %dma_wait3A_690 = tpu.memref_slice %arg4[%mul3A_36] : memref<4096xi32, #tpu.memory_space<hbm>> -> memref<256xi32, #tpu.memory_space<hbm>>
        tpu.wait_dma2 semaphore(%run_scoped3A : memref<!tpu.dma_semaphore, #tpu.memory_space<semaphore_mem>>) src(%dma_wait3A_690 : memref<256xi32, #tpu.memory_space<hbm>>) dst(%arg6 : memref<256xi32, #tpu.memory_space<vmem>>)
        tpu.yield
      }) : () -> ()
    } else {
    }
    %get3A = arith.constant 0 : index
    %get3A_45 = tpu.vector_load %arg6[%get3A] {strides = array<i32>} : memref<256xi32, #tpu.memory_space<vmem>>, vector<16xi32>,
    %get3A_46 = vector.shape_cast %get3A_45 : vector<16xi32> to vector<16xi32>
    %and3A_47 = arith.constant 65535 : i32
    %and3A_48 = vector.broadcast %and3A_47 : i32 to vector<16xi32>
    %and3A_49 = arith.andi %get3A_46, %and3A_48 : vector<16xi32>
    %shift_right_arithmetic3A = arith.constant 16 : i32
    %shift_right_arithmetic3A_50 = vector.broadcast %shift_right_arithmetic3A : i32 to vector<16xi32>
    %shift_right_arithmetic3A_51 = arith.shrsi %get3A_46, %shift_right_arithmetic3A_50 : vector<16xi32>
    %shift_right_arithmetic3A_52 = arith.constant 3 : i32
    %shift_right_arithmetic3A_53 = vector.broadcast %shift_right_arithmetic3A_52 : i32 to vector<16xi32>
    %shift_right_arithmetic3A_54 = arith.shrsi %shift_right_arithmetic3A_51, %shift_right_arithmetic3A_53 : vector<16xi32>
    %shift_left3A = arith.constant 12 : i32
    %shift_left3A_55 = vector.broadcast %shift_left3A : i32 to vector<16xi32>
    %shift_left3A_56 = arith.shli %shift_right_arithmetic3A_54, %shift_left3A_55 : vector<16xi32>
    %add3A_57 = vector.broadcast %mul3A_34 : i32 to vector<16xi32>
    %add3A_58 = arith.addi %add3A_57, %shift_left3A_56 : vector<16xi32>
    %and3A_59 = arith.constant 7 : i32
    %and3A_60 = vector.broadcast %and3A_59 : i32 to vector<16xi32>
    %and3A_61 = arith.andi %shift_right_arithmetic3A_51, %and3A_60 : vector<16xi32>
    %shift_left3A_62 = arith.constant 7 : i32
    %shift_left3A_63 = vector.broadcast %shift_left3A_62 : i32 to vector<16xi32>
    %shift_left3A_64 = arith.shli %and3A_61, %shift_left3A_63 : vector<16xi32>
    %add3A_65 = arith.addi %add3A_58, %shift_left3A_64 : vector<16xi32>
    %shift_right_arithmetic3A_66 = arith.constant 7 : i32
    %shift_right_arithmetic3A_67 = vector.broadcast %shift_right_arithmetic3A_66 : i32 to vector<16xi32>
    %shift_right_arithmetic3A_68 = arith.shrsi %and3A_49, %shift_right_arithmetic3A_67 : vector<16xi32>
    %shift_left3A_69 = arith.constant 10 : i32
    %shift_left3A_70 = vector.broadcast %shift_left3A_69 : i32 to vector<16xi32>
    %shift_left3A_71 = arith.shli %shift_right_arithmetic3A_68, %shift_left3A_70 : vector<16xi32>
    %add3A_72 = arith.addi %add3A_65, %shift_left3A_71 : vector<16xi32>
    %and3A_73 = arith.constant 127 : i32
    %and3A_74 = vector.broadcast %and3A_73 : i32 to vector<16xi32>
    %and3A_75 = arith.andi %and3A_49, %and3A_74 : vector<16xi32>
    %add3A_76 = arith.addi %add3A_72, %and3A_75 : vector<16xi32>
    %swap3A = arith.constant 0 : index
    %swap3A_77 = tpu.vector_load %arg7[%swap3A] {strides = array<i32>} : memref<256xi32, #tpu.memory_space<vmem>>, vector<16xi32>,
    %swap3A_78 = vector.shape_cast %swap3A_77 : vector<16xi32> to vector<16xi32>
    %swap3A_79 = vector.shape_cast %add3A_76 : vector<16xi32> to vector<16xi32>
    tpu.vector_store %arg7[%swap3A], %swap3A_79 {strides = array<i32>} : memref<256xi32, #tpu.memory_space<vmem>>, vector<16xi32>,
    %get3A_80 = arith.constant 16 : index
    %get3A_81 = tpu.vector_load %arg6[%get3A_80] {strides = array<i32>} : memref<256xi32, #tpu.memory_space<vmem>>, vector<16xi32>,
    %get3A_82 = vector.shape_cast %get3A_81 : vector<16xi32> to vector<16xi32>
    %and3A_83 = arith.constant 65535 : i32
    %and3A_84 = vector.broadcast %and3A_83 : i32 to vector<16xi32>
    %and3A_85 = arith.andi %get3A_82, %and3A_84 : vector<16xi32>
    %shift_right_arithmetic3A_86 = arith.constant 16 : i32
    %shift_right_arithmetic3A_87 = vector.broadcast %shift_right_arithmetic3A_86 : i32 to vector<16xi32>
    %shift_right_arithmetic3A_88 = arith.shrsi %get3A_82, %shift_right_arithmetic3A_87 : vector<16xi32>
    %shift_right_arithmetic3A_89 = arith.constant 3 : i32
    %shift_right_arithmetic3A_90 = vector.broadcast %shift_right_arithmetic3A_89 : i32 to vector<16xi32>
    %shift_right_arithmetic3A_91 = arith.shrsi %shift_right_arithmetic3A_88, %shift_right_arithmetic3A_90 : vector<16xi32>
    %shift_left3A_92 = arith.constant 12 : i32
    %shift_left3A_93 = vector.broadcast %shift_left3A_92 : i32 to vector<16xi32>
    %shift_left3A_94 = arith.shli %shift_right_arithmetic3A_91, %shift_left3A_93 : vector<16xi32>
    %add3A_95 = vector.broadcast %mul3A_34 : i32 to vector<16xi32>
    %add3A_96 = arith.addi %add3A_95, %shift_left3A_94 : vector<16xi32>
    %and3A_97 = arith.constant 7 : i32
    %and3A_98 = vector.broadcast %and3A_97 : i32 to vector<16xi32>
    %and3A_99 = arith.andi %shift_right_arithmetic3A_88, %and3A_98 : vector<16xi32>
    %shift_left3A_100 = arith.constant 7 : i32
    %shift_left3A_101 = vector.broadcast %shift_left3A_100 : i32 to vector<16xi32>
    %shift_left3A_102 = arith.shli %and3A_99, %shift_left3A_101 : vector<16xi32>
    %add3A_103 = arith.addi %add3A_96, %shift_left3A_102 : vector<16xi32>
    %shift_right_arithmetic3A_104 = arith.constant 7 : i32
    %shift_right_arithmetic3A_105 = vector.broadcast %shift_right_arithmetic3A_104 : i32 to vector<16xi32>
    %shift_right_arithmetic3A_106 = arith.shrsi %and3A_85, %shift_right_arithmetic3A_105 : vector<16xi32>
    %shift_left3A_107 = arith.constant 10 : i32
    %shift_left3A_108 = vector.broadcast %shift_left3A_107 : i32 to vector<16xi32>
    %shift_left3A_109 = arith.shli %shift_right_arithmetic3A_106, %shift_left3A_108 : vector<16xi32>
    %add3A_110 = arith.addi %add3A_103, %shift_left3A_109 : vector<16xi32>
    %and3A_111 = arith.constant 127 : i32
    %and3A_112 = vector.broadcast %and3A_111 : i32 to vector<16xi32>
    %and3A_113 = arith.andi %and3A_85, %and3A_112 : vector<16xi32>
    %add3A_114 = arith.addi %add3A_110, %and3A_113 : vector<16xi32>
    %swap3A_115 = arith.constant 16 : index
    %swap3A_116 = tpu.vector_load %arg7[%swap3A_115] {strides = array<i32>} : memref<256xi32, #tpu.memory_space<vmem>>, vector<16xi32>,
    %swap3A_117 = vector.shape_cast %swap3A_116 : vector<16xi32> to vector<16xi32>
    %swap3A_118 = vector.shape_cast %add3A_114 : vector<16xi32> to vector<16xi32>
    tpu.vector_store %arg7[%swap3A_115], %swap3A_118 {strides = array<i32>} : memref<256xi32, #tpu.memory_space<vmem>>, vector<16xi32>,
    %get3A_119 = arith.constant 32 : index
    %get3A_120 = tpu.vector_load %arg6[%get3A_119] {strides = array<i32>} : memref<256xi32, #tpu.memory_space<vmem>>, vector<16xi32>,
    %get3A_121 = vector.shape_cast %get3A_120 : vector<16xi32> to vector<16xi32>
    %and3A_122 = arith.constant 65535 : i32
    %and3A_123 = vector.broadcast %and3A_122 : i32 to vector<16xi32>
    %and3A_124 = arith.andi %get3A_121, %and3A_123 : vector<16xi32>
    %shift_right_arithmetic3A_125 = arith.constant 16 : i32
    %shift_right_arithmetic3A_126 = vector.broadcast %shift_right_arithmetic3A_125 : i32 to vector<16xi32>
    %shift_right_arithmetic3A_127 = arith.shrsi %get3A_121, %shift_right_arithmetic3A_126 : vector<16xi32>
    %shift_right_arithmetic3A_128 = arith.constant 3 : i32
    %shift_right_arithmetic3A_129 = vector.broadcast %shift_right_arithmetic3A_128 : i32 to vector<16xi32>
    %shift_right_arithmetic3A_130 = arith.shrsi %shift_right_arithmetic3A_127, %shift_right_arithmetic3A_129 : vector<16xi32>
    %shift_left3A_131 = arith.constant 12 : i32
    %shift_left3A_132 = vector.broadcast %shift_left3A_131 : i32 to vector<16xi32>
    %shift_left3A_133 = arith.shli %shift_right_arithmetic3A_130, %shift_left3A_132 : vector<16xi32>
    %add3A_134 = vector.broadcast %mul3A_34 : i32 to vector<16xi32>
    %add3A_135 = arith.addi %add3A_134, %shift_left3A_133 : vector<16xi32>
    %and3A_136 = arith.constant 7 : i32
    %and3A_137 = vector.broadcast %and3A_136 : i32 to vector<16xi32>
    %and3A_138 = arith.andi %shift_right_arithmetic3A_127, %and3A_137 : vector<16xi32>
    %shift_left3A_139 = arith.constant 7 : i32
    %shift_left3A_140 = vector.broadcast %shift_left3A_139 : i32 to vector<16xi32>
    %shift_left3A_141 = arith.shli %and3A_138, %shift_left3A_140 : vector<16xi32>
    %add3A_142 = arith.addi %add3A_135, %shift_left3A_141 : vector<16xi32>
    %shift_right_arithmetic3A_143 = arith.constant 7 : i32
    %shift_right_arithmetic3A_144 = vector.broadcast %shift_right_arithmetic3A_143 : i32 to vector<16xi32>
    %shift_right_arithmetic3A_145 = arith.shrsi %and3A_124, %shift_right_arithmetic3A_144 : vector<16xi32>
    %shift_left3A_146 = arith.constant 10 : i32
    %shift_left3A_147 = vector.broadcast %shift_left3A_146 : i32 to vector<16xi32>
    %shift_left3A_148 = arith.shli %shift_right_arithmetic3A_145, %shift_left3A_147 : vector<16xi32>
    %add3A_149 = arith.addi %add3A_142, %shift_left3A_148 : vector<16xi32>
    %and3A_150 = arith.constant 127 : i32
    %and3A_151 = vector.broadcast %and3A_150 : i32 to vector<16xi32>
    %and3A_152 = arith.andi %and3A_124, %and3A_151 : vector<16xi32>
    %add3A_153 = arith.addi %add3A_149, %and3A_152 : vector<16xi32>
    %swap3A_154 = arith.constant 32 : index
    %swap3A_155 = tpu.vector_load %arg7[%swap3A_154] {strides = array<i32>} : memref<256xi32, #tpu.memory_space<vmem>>, vector<16xi32>,
    %swap3A_156 = vector.shape_cast %swap3A_155 : vector<16xi32> to vector<16xi32>
    %swap3A_157 = vector.shape_cast %add3A_153 : vector<16xi32> to vector<16xi32>
    tpu.vector_store %arg7[%swap3A_154], %swap3A_157 {strides = array<i32>} : memref<256xi32, #tpu.memory_space<vmem>>, vector<16xi32>,
    %get3A_158 = arith.constant 48 : index
    %get3A_159 = tpu.vector_load %arg6[%get3A_158] {strides = array<i32>} : memref<256xi32, #tpu.memory_space<vmem>>, vector<16xi32>,
    %get3A_160 = vector.shape_cast %get3A_159 : vector<16xi32> to vector<16xi32>
    %and3A_161 = arith.constant 65535 : i32
    %and3A_162 = vector.broadcast %and3A_161 : i32 to vector<16xi32>
    %and3A_163 = arith.andi %get3A_160, %and3A_162 : vector<16xi32>
    %shift_right_arithmetic3A_164 = arith.constant 16 : i32
    %shift_right_arithmetic3A_165 = vector.broadcast %shift_right_arithmetic3A_164 : i32 to vector<16xi32>
    %shift_right_arithmetic3A_166 = arith.shrsi %get3A_160, %shift_right_arithmetic3A_165 : vector<16xi32>
    %shift_right_arithmetic3A_167 = arith.constant 3 : i32
    %shift_right_arithmetic3A_168 = vector.broadcast %shift_right_arithmetic3A_167 : i32 to vector<16xi32>
    %shift_right_arithmetic3A_169 = arith.shrsi %shift_right_arithmetic3A_166, %shift_right_arithmetic3A_168 : vector<16xi32>
    %shift_left3A_170 = arith.constant 12 : i32
    %shift_left3A_171 = vector.broadcast %shift_left3A_170 : i32 to vector<16xi32>
    %shift_left3A_172 = arith.shli %shift_right_arithmetic3A_169, %shift_left3A_171 : vector<16xi32>
    %add3A_173 = vector.broadcast %mul3A_34 : i32 to vector<16xi32>
    %add3A_174 = arith.addi %add3A_173, %shift_left3A_172 : vector<16xi32>
    %and3A_175 = arith.constant 7 : i32
    %and3A_176 = vector.broadcast %and3A_175 : i32 to vector<16xi32>
    %and3A_177 = arith.andi %shift_right_arithmetic3A_166, %and3A_176 : vector<16xi32>
    %shift_left3A_178 = arith.constant 7 : i32
    %shift_left3A_179 = vector.broadcast %shift_left3A_178 : i32 to vector<16xi32>
    %shift_left3A_180 = arith.shli %and3A_177, %shift_left3A_179 : vector<16xi32>
    %add3A_181 = arith.addi %add3A_174, %shift_left3A_180 : vector<16xi32>
    %shift_right_arithmetic3A_182 = arith.constant 7 : i32
    %shift_right_arithmetic3A_183 = vector.broadcast %shift_right_arithmetic3A_182 : i32 to vector<16xi32>
    %shift_right_arithmetic3A_184 = arith.shrsi %and3A_163, %shift_right_arithmetic3A_183 : vector<16xi32>
    %shift_left3A_185 = arith.constant 10 : i32
    %shift_left3A_186 = vector.broadcast %shift_left3A_185 : i32 to vector<16xi32>
    %shift_left3A_187 = arith.shli %shift_right_arithmetic3A_184, %shift_left3A_186 : vector<16xi32>
    %add3A_188 = arith.addi %add3A_181, %shift_left3A_187 : vector<16xi32>
    %and3A_189 = arith.constant 127 : i32
    %and3A_190 = vector.broadcast %and3A_189 : i32 to vector<16xi32>
    %and3A_191 = arith.andi %and3A_163, %and3A_190 : vector<16xi32>
    %add3A_192 = arith.addi %add3A_188, %and3A_191 : vector<16xi32>
    %swap3A_193 = arith.constant 48 : index
    %swap3A_194 = tpu.vector_load %arg7[%swap3A_193] {strides = array<i32>} : memref<256xi32, #tpu.memory_space<vmem>>, vector<16xi32>,
    %swap3A_195 = vector.shape_cast %swap3A_194 : vector<16xi32> to vector<16xi32>
    %swap3A_196 = vector.shape_cast %add3A_192 : vector<16xi32> to vector<16xi32>
    tpu.vector_store %arg7[%swap3A_193], %swap3A_196 {strides = array<i32>} : memref<256xi32, #tpu.memory_space<vmem>>, vector<16xi32>,
    %get3A_197 = arith.constant 64 : index
    %get3A_198 = tpu.vector_load %arg6[%get3A_197] {strides = array<i32>} : memref<256xi32, #tpu.memory_space<vmem>>, vector<16xi32>,
    %get3A_199 = vector.shape_cast %get3A_198 : vector<16xi32> to vector<16xi32>
    %and3A_200 = arith.constant 65535 : i32
    %and3A_201 = vector.broadcast %and3A_200 : i32 to vector<16xi32>
    %and3A_202 = arith.andi %get3A_199, %and3A_201 : vector<16xi32>
    %shift_right_arithmetic3A_203 = arith.constant 16 : i32
    %shift_right_arithmetic3A_204 = vector.broadcast %shift_right_arithmetic3A_203 : i32 to vector<16xi32>
    %shift_right_arithmetic3A_205 = arith.shrsi %get3A_199, %shift_right_arithmetic3A_204 : vector<16xi32>
    %shift_right_arithmetic3A_206 = arith.constant 3 : i32
    %shift_right_arithmetic3A_207 = vector.broadcast %shift_right_arithmetic3A_206 : i32 to vector<16xi32>
    %shift_right_arithmetic3A_208 = arith.shrsi %shift_right_arithmetic3A_205, %shift_right_arithmetic3A_207 : vector<16xi32>
    %shift_left3A_209 = arith.constant 12 : i32
    %shift_left3A_210 = vector.broadcast %shift_left3A_209 : i32 to vector<16xi32>
    %shift_left3A_211 = arith.shli %shift_right_arithmetic3A_208, %shift_left3A_210 : vector<16xi32>
    %add3A_212 = vector.broadcast %mul3A_34 : i32 to vector<16xi32>
    %add3A_213 = arith.addi %add3A_212, %shift_left3A_211 : vector<16xi32>
    %and3A_214 = arith.constant 7 : i32
    %and3A_215 = vector.broadcast %and3A_214 : i32 to vector<16xi32>
    %and3A_216 = arith.andi %shift_right_arithmetic3A_205, %and3A_215 : vector<16xi32>
    %shift_left3A_217 = arith.constant 7 : i32
    %shift_left3A_218 = vector.broadcast %shift_left3A_217 : i32 to vector<16xi32>
    %shift_left3A_219 = arith.shli %and3A_216, %shift_left3A_218 : vector<16xi32>
    %add3A_220 = arith.addi %add3A_213, %shift_left3A_219 : vector<16xi32>
    %shift_right_arithmetic3A_221 = arith.constant 7 : i32
    %shift_right_arithmetic3A_222 = vector.broadcast %shift_right_arithmetic3A_221 : i32 to vector<16xi32>
    %shift_right_arithmetic3A_223 = arith.shrsi %and3A_202, %shift_right_arithmetic3A_222 : vector<16xi32>
    %shift_left3A_224 = arith.constant 10 : i32
    %shift_left3A_225 = vector.broadcast %shift_left3A_224 : i32 to vector<16xi32>
    %shift_left3A_226 = arith.shli %shift_right_arithmetic3A_223, %shift_left3A_225 : vector<16xi32>
    %add3A_227 = arith.addi %add3A_220, %shift_left3A_226 : vector<16xi32>
    %and3A_228 = arith.constant 127 : i32
    %and3A_229 = vector.broadcast %and3A_228 : i32 to vector<16xi32>
    %and3A_230 = arith.andi %and3A_202, %and3A_229 : vector<16xi32>
    %add3A_231 = arith.addi %add3A_227, %and3A_230 : vector<16xi32>
    %swap3A_232 = arith.constant 64 : index
    %swap3A_233 = tpu.vector_load %arg7[%swap3A_232] {strides = array<i32>} : memref<256xi32, #tpu.memory_space<vmem>>, vector<16xi32>,
    %swap3A_234 = vector.shape_cast %swap3A_233 : vector<16xi32> to vector<16xi32>
    %swap3A_235 = vector.shape_cast %add3A_231 : vector<16xi32> to vector<16xi32>
    tpu.vector_store %arg7[%swap3A_232], %swap3A_235 {strides = array<i32>} : memref<256xi32, #tpu.memory_space<vmem>>, vector<16xi32>,
    %get3A_236 = arith.constant 80 : index
    %get3A_237 = tpu.vector_load %arg6[%get3A_236] {strides = array<i32>} : memref<256xi32, #tpu.memory_space<vmem>>, vector<16xi32>,
    %get3A_238 = vector.shape_cast %get3A_237 : vector<16xi32> to vector<16xi32>
    %and3A_239 = arith.constant 65535 : i32
    %and3A_240 = vector.broadcast %and3A_239 : i32 to vector<16xi32>
    %and3A_241 = arith.andi %get3A_238, %and3A_240 : vector<16xi32>
    %shift_right_arithmetic3A_242 = arith.constant 16 : i32
    %shift_right_arithmetic3A_243 = vector.broadcast %shift_right_arithmetic3A_242 : i32 to vector<16xi32>
    %shift_right_arithmetic3A_244 = arith.shrsi %get3A_238, %shift_right_arithmetic3A_243 : vector<16xi32>
    %shift_right_arithmetic3A_245 = arith.constant 3 : i32
    %shift_right_arithmetic3A_246 = vector.broadcast %shift_right_arithmetic3A_245 : i32 to vector<16xi32>
    %shift_right_arithmetic3A_247 = arith.shrsi %shift_right_arithmetic3A_244, %shift_right_arithmetic3A_246 : vector<16xi32>
    %shift_left3A_248 = arith.constant 12 : i32
    %shift_left3A_249 = vector.broadcast %shift_left3A_248 : i32 to vector<16xi32>
    %shift_left3A_250 = arith.shli %shift_right_arithmetic3A_247, %shift_left3A_249 : vector<16xi32>
    %add3A_251 = vector.broadcast %mul3A_34 : i32 to vector<16xi32>
    %add3A_252 = arith.addi %add3A_251, %shift_left3A_250 : vector<16xi32>
    %and3A_253 = arith.constant 7 : i32
    %and3A_254 = vector.broadcast %and3A_253 : i32 to vector<16xi32>
    %and3A_255 = arith.andi %shift_right_arithmetic3A_244, %and3A_254 : vector<16xi32>
    %shift_left3A_256 = arith.constant 7 : i32
    %shift_left3A_257 = vector.broadcast %shift_left3A_256 : i32 to vector<16xi32>
    %shift_left3A_258 = arith.shli %and3A_255, %shift_left3A_257 : vector<16xi32>
    %add3A_259 = arith.addi %add3A_252, %shift_left3A_258 : vector<16xi32>
    %shift_right_arithmetic3A_260 = arith.constant 7 : i32
    %shift_right_arithmetic3A_261 = vector.broadcast %shift_right_arithmetic3A_260 : i32 to vector<16xi32>
    %shift_right_arithmetic3A_262 = arith.shrsi %and3A_241, %shift_right_arithmetic3A_261 : vector<16xi32>
    %shift_left3A_263 = arith.constant 10 : i32
    %shift_left3A_264 = vector.broadcast %shift_left3A_263 : i32 to vector<16xi32>
    %shift_left3A_265 = arith.shli %shift_right_arithmetic3A_262, %shift_left3A_264 : vector<16xi32>
    %add3A_266 = arith.addi %add3A_259, %shift_left3A_265 : vector<16xi32>
    %and3A_267 = arith.constant 127 : i32
    %and3A_268 = vector.broadcast %and3A_267 : i32 to vector<16xi32>
    %and3A_269 = arith.andi %and3A_241, %and3A_268 : vector<16xi32>
    %add3A_270 = arith.addi %add3A_266, %and3A_269 : vector<16xi32>
    %swap3A_271 = arith.constant 80 : index
    %swap3A_272 = tpu.vector_load %arg7[%swap3A_271] {strides = array<i32>} : memref<256xi32, #tpu.memory_space<vmem>>, vector<16xi32>,
    %swap3A_273 = vector.shape_cast %swap3A_272 : vector<16xi32> to vector<16xi32>
    %swap3A_274 = vector.shape_cast %add3A_270 : vector<16xi32> to vector<16xi32>
    tpu.vector_store %arg7[%swap3A_271], %swap3A_274 {strides = array<i32>} : memref<256xi32, #tpu.memory_space<vmem>>, vector<16xi32>,
    %get3A_275 = arith.constant 96 : index
    %get3A_276 = tpu.vector_load %arg6[%get3A_275] {strides = array<i32>} : memref<256xi32, #tpu.memory_space<vmem>>, vector<16xi32>,
    %get3A_277 = vector.shape_cast %get3A_276 : vector<16xi32> to vector<16xi32>
    %and3A_278 = arith.constant 65535 : i32
    %and3A_279 = vector.broadcast %and3A_278 : i32 to vector<16xi32>
    %and3A_280 = arith.andi %get3A_277, %and3A_279 : vector<16xi32>
    %shift_right_arithmetic3A_281 = arith.constant 16 : i32
    %shift_right_arithmetic3A_282 = vector.broadcast %shift_right_arithmetic3A_281 : i32 to vector<16xi32>
    %shift_right_arithmetic3A_283 = arith.shrsi %get3A_277, %shift_right_arithmetic3A_282 : vector<16xi32>
    %shift_right_arithmetic3A_284 = arith.constant 3 : i32
    %shift_right_arithmetic3A_285 = vector.broadcast %shift_right_arithmetic3A_284 : i32 to vector<16xi32>
    %shift_right_arithmetic3A_286 = arith.shrsi %shift_right_arithmetic3A_283, %shift_right_arithmetic3A_285 : vector<16xi32>
    %shift_left3A_287 = arith.constant 12 : i32
    %shift_left3A_288 = vector.broadcast %shift_left3A_287 : i32 to vector<16xi32>
    %shift_left3A_289 = arith.shli %shift_right_arithmetic3A_286, %shift_left3A_288 : vector<16xi32>
    %add3A_290 = vector.broadcast %mul3A_34 : i32 to vector<16xi32>
    %add3A_291 = arith.addi %add3A_290, %shift_left3A_289 : vector<16xi32>
    %and3A_292 = arith.constant 7 : i32
    %and3A_293 = vector.broadcast %and3A_292 : i32 to vector<16xi32>
    %and3A_294 = arith.andi %shift_right_arithmetic3A_283, %and3A_293 : vector<16xi32>
    %shift_left3A_295 = arith.constant 7 : i32
    %shift_left3A_296 = vector.broadcast %shift_left3A_295 : i32 to vector<16xi32>
    %shift_left3A_297 = arith.shli %and3A_294, %shift_left3A_296 : vector<16xi32>
    %add3A_298 = arith.addi %add3A_291, %shift_left3A_297 : vector<16xi32>
    %shift_right_arithmetic3A_299 = arith.constant 7 : i32
    %shift_right_arithmetic3A_300 = vector.broadcast %shift_right_arithmetic3A_299 : i32 to vector<16xi32>
    %shift_right_arithmetic3A_301 = arith.shrsi %and3A_280, %shift_right_arithmetic3A_300 : vector<16xi32>
    %shift_left3A_302 = arith.constant 10 : i32
    %shift_left3A_303 = vector.broadcast %shift_left3A_302 : i32 to vector<16xi32>
    %shift_left3A_304 = arith.shli %shift_right_arithmetic3A_301, %shift_left3A_303 : vector<16xi32>
    %add3A_305 = arith.addi %add3A_298, %shift_left3A_304 : vector<16xi32>
    %and3A_306 = arith.constant 127 : i32
    %and3A_307 = vector.broadcast %and3A_306 : i32 to vector<16xi32>
    %and3A_308 = arith.andi %and3A_280, %and3A_307 : vector<16xi32>
    %add3A_309 = arith.addi %add3A_305, %and3A_308 : vector<16xi32>
    %swap3A_310 = arith.constant 96 : index
    %swap3A_311 = tpu.vector_load %arg7[%swap3A_310] {strides = array<i32>} : memref<256xi32, #tpu.memory_space<vmem>>, vector<16xi32>,
    %swap3A_312 = vector.shape_cast %swap3A_311 : vector<16xi32> to vector<16xi32>
    %swap3A_313 = vector.shape_cast %add3A_309 : vector<16xi32> to vector<16xi32>
    tpu.vector_store %arg7[%swap3A_310], %swap3A_313 {strides = array<i32>} : memref<256xi32, #tpu.memory_space<vmem>>, vector<16xi32>,
    %get3A_314 = arith.constant 112 : index
    %get3A_315 = tpu.vector_load %arg6[%get3A_314] {strides = array<i32>} : memref<256xi32, #tpu.memory_space<vmem>>, vector<16xi32>,
    %get3A_316 = vector.shape_cast %get3A_315 : vector<16xi32> to vector<16xi32>
    %and3A_317 = arith.constant 65535 : i32
    %and3A_318 = vector.broadcast %and3A_317 : i32 to vector<16xi32>
    %and3A_319 = arith.andi %get3A_316, %and3A_318 : vector<16xi32>
    %shift_right_arithmetic3A_320 = arith.constant 16 : i32
    %shift_right_arithmetic3A_321 = vector.broadcast %shift_right_arithmetic3A_320 : i32 to vector<16xi32>
    %shift_right_arithmetic3A_322 = arith.shrsi %get3A_316, %shift_right_arithmetic3A_321 : vector<16xi32>
    %shift_right_arithmetic3A_323 = arith.constant 3 : i32
    %shift_right_arithmetic3A_324 = vector.broadcast %shift_right_arithmetic3A_323 : i32 to vector<16xi32>
    %shift_right_arithmetic3A_325 = arith.shrsi %shift_right_arithmetic3A_322, %shift_right_arithmetic3A_324 : vector<16xi32>
    %shift_left3A_326 = arith.constant 12 : i32
    %shift_left3A_327 = vector.broadcast %shift_left3A_326 : i32 to vector<16xi32>
    %shift_left3A_328 = arith.shli %shift_right_arithmetic3A_325, %shift_left3A_327 : vector<16xi32>
    %add3A_329 = vector.broadcast %mul3A_34 : i32 to vector<16xi32>
    %add3A_330 = arith.addi %add3A_329, %shift_left3A_328 : vector<16xi32>
    %and3A_331 = arith.constant 7 : i32
    %and3A_332 = vector.broadcast %and3A_331 : i32 to vector<16xi32>
    %and3A_333 = arith.andi %shift_right_arithmetic3A_322, %and3A_332 : vector<16xi32>
    %shift_left3A_334 = arith.constant 7 : i32
    %shift_left3A_335 = vector.broadcast %shift_left3A_334 : i32 to vector<16xi32>
    %shift_left3A_336 = arith.shli %and3A_333, %shift_left3A_335 : vector<16xi32>
    %add3A_337 = arith.addi %add3A_330, %shift_left3A_336 : vector<16xi32>
    %shift_right_arithmetic3A_338 = arith.constant 7 : i32
    %shift_right_arithmetic3A_339 = vector.broadcast %shift_right_arithmetic3A_338 : i32 to vector<16xi32>
    %shift_right_arithmetic3A_340 = arith.shrsi %and3A_319, %shift_right_arithmetic3A_339 : vector<16xi32>
    %shift_left3A_341 = arith.constant 10 : i32
    %shift_left3A_342 = vector.broadcast %shift_left3A_341 : i32 to vector<16xi32>
    %shift_left3A_343 = arith.shli %shift_right_arithmetic3A_340, %shift_left3A_342 : vector<16xi32>
    %add3A_344 = arith.addi %add3A_337, %shift_left3A_343 : vector<16xi32>
    %and3A_345 = arith.constant 127 : i32
    %and3A_346 = vector.broadcast %and3A_345 : i32 to vector<16xi32>
    %and3A_347 = arith.andi %and3A_319, %and3A_346 : vector<16xi32>
    %add3A_348 = arith.addi %add3A_344, %and3A_347 : vector<16xi32>
    %swap3A_349 = arith.constant 112 : index
    %swap3A_350 = tpu.vector_load %arg7[%swap3A_349] {strides = array<i32>} : memref<256xi32, #tpu.memory_space<vmem>>, vector<16xi32>,
    %swap3A_351 = vector.shape_cast %swap3A_350 : vector<16xi32> to vector<16xi32>
    %swap3A_352 = vector.shape_cast %add3A_348 : vector<16xi32> to vector<16xi32>
    tpu.vector_store %arg7[%swap3A_349], %swap3A_352 {strides = array<i32>} : memref<256xi32, #tpu.memory_space<vmem>>, vector<16xi32>,
    %get3A_353 = arith.constant 128 : index
    %get3A_354 = tpu.vector_load %arg6[%get3A_353] {strides = array<i32>} : memref<256xi32, #tpu.memory_space<vmem>>, vector<16xi32>,
    %get3A_355 = vector.shape_cast %get3A_354 : vector<16xi32> to vector<16xi32>
    %and3A_356 = arith.constant 65535 : i32
    %and3A_357 = vector.broadcast %and3A_356 : i32 to vector<16xi32>
    %and3A_358 = arith.andi %get3A_355, %and3A_357 : vector<16xi32>
    %shift_right_arithmetic3A_359 = arith.constant 16 : i32
    %shift_right_arithmetic3A_360 = vector.broadcast %shift_right_arithmetic3A_359 : i32 to vector<16xi32>
    %shift_right_arithmetic3A_361 = arith.shrsi %get3A_355, %shift_right_arithmetic3A_360 : vector<16xi32>
    %shift_right_arithmetic3A_362 = arith.constant 3 : i32
    %shift_right_arithmetic3A_363 = vector.broadcast %shift_right_arithmetic3A_362 : i32 to vector<16xi32>
    %shift_right_arithmetic3A_364 = arith.shrsi %shift_right_arithmetic3A_361, %shift_right_arithmetic3A_363 : vector<16xi32>
    %shift_left3A_365 = arith.constant 12 : i32
    %shift_left3A_366 = vector.broadcast %shift_left3A_365 : i32 to vector<16xi32>
    %shift_left3A_367 = arith.shli %shift_right_arithmetic3A_364, %shift_left3A_366 : vector<16xi32>
    %add3A_368 = vector.broadcast %mul3A_34 : i32 to vector<16xi32>
    %add3A_369 = arith.addi %add3A_368, %shift_left3A_367 : vector<16xi32>
    %and3A_370 = arith.constant 7 : i32
    %and3A_371 = vector.broadcast %and3A_370 : i32 to vector<16xi32>
    %and3A_372 = arith.andi %shift_right_arithmetic3A_361, %and3A_371 : vector<16xi32>
    %shift_left3A_373 = arith.constant 7 : i32
    %shift_left3A_374 = vector.broadcast %shift_left3A_373 : i32 to vector<16xi32>
    %shift_left3A_375 = arith.shli %and3A_372, %shift_left3A_374 : vector<16xi32>
    %add3A_376 = arith.addi %add3A_369, %shift_left3A_375 : vector<16xi32>
    %shift_right_arithmetic3A_377 = arith.constant 7 : i32
    %shift_right_arithmetic3A_378 = vector.broadcast %shift_right_arithmetic3A_377 : i32 to vector<16xi32>
    %shift_right_arithmetic3A_379 = arith.shrsi %and3A_358, %shift_right_arithmetic3A_378 : vector<16xi32>
    %shift_left3A_380 = arith.constant 10 : i32
    %shift_left3A_381 = vector.broadcast %shift_left3A_380 : i32 to vector<16xi32>
    %shift_left3A_382 = arith.shli %shift_right_arithmetic3A_379, %shift_left3A_381 : vector<16xi32>
    %add3A_383 = arith.addi %add3A_376, %shift_left3A_382 : vector<16xi32>
    %and3A_384 = arith.constant 127 : i32
    %and3A_385 = vector.broadcast %and3A_384 : i32 to vector<16xi32>
    %and3A_386 = arith.andi %and3A_358, %and3A_385 : vector<16xi32>
    %add3A_387 = arith.addi %add3A_383, %and3A_386 : vector<16xi32>
    %swap3A_388 = arith.constant 128 : index
    %swap3A_389 = tpu.vector_load %arg7[%swap3A_388] {strides = array<i32>} : memref<256xi32, #tpu.memory_space<vmem>>, vector<16xi32>,
    %swap3A_390 = vector.shape_cast %swap3A_389 : vector<16xi32> to vector<16xi32>
    %swap3A_391 = vector.shape_cast %add3A_387 : vector<16xi32> to vector<16xi32>
    tpu.vector_store %arg7[%swap3A_388], %swap3A_391 {strides = array<i32>} : memref<256xi32, #tpu.memory_space<vmem>>, vector<16xi32>,
    %get3A_392 = arith.constant 144 : index
    %get3A_393 = tpu.vector_load %arg6[%get3A_392] {strides = array<i32>} : memref<256xi32, #tpu.memory_space<vmem>>, vector<16xi32>,
    %get3A_394 = vector.shape_cast %get3A_393 : vector<16xi32> to vector<16xi32>
    %and3A_395 = arith.constant 65535 : i32
    %and3A_396 = vector.broadcast %and3A_395 : i32 to vector<16xi32>
    %and3A_397 = arith.andi %get3A_394, %and3A_396 : vector<16xi32>
    %shift_right_arithmetic3A_398 = arith.constant 16 : i32
    %shift_right_arithmetic3A_399 = vector.broadcast %shift_right_arithmetic3A_398 : i32 to vector<16xi32>
    %shift_right_arithmetic3A_400 = arith.shrsi %get3A_394, %shift_right_arithmetic3A_399 : vector<16xi32>
    %shift_right_arithmetic3A_401 = arith.constant 3 : i32
    %shift_right_arithmetic3A_402 = vector.broadcast %shift_right_arithmetic3A_401 : i32 to vector<16xi32>
    %shift_right_arithmetic3A_403 = arith.shrsi %shift_right_arithmetic3A_400, %shift_right_arithmetic3A_402 : vector<16xi32>
    %shift_left3A_404 = arith.constant 12 : i32
    %shift_left3A_405 = vector.broadcast %shift_left3A_404 : i32 to vector<16xi32>
    %shift_left3A_406 = arith.shli %shift_right_arithmetic3A_403, %shift_left3A_405 : vector<16xi32>
    %add3A_407 = vector.broadcast %mul3A_34 : i32 to vector<16xi32>
    %add3A_408 = arith.addi %add3A_407, %shift_left3A_406 : vector<16xi32>
    %and3A_409 = arith.constant 7 : i32
    %and3A_410 = vector.broadcast %and3A_409 : i32 to vector<16xi32>
    %and3A_411 = arith.andi %shift_right_arithmetic3A_400, %and3A_410 : vector<16xi32>
    %shift_left3A_412 = arith.constant 7 : i32
    %shift_left3A_413 = vector.broadcast %shift_left3A_412 : i32 to vector<16xi32>
    %shift_left3A_414 = arith.shli %and3A_411, %shift_left3A_413 : vector<16xi32>
    %add3A_415 = arith.addi %add3A_408, %shift_left3A_414 : vector<16xi32>
    %shift_right_arithmetic3A_416 = arith.constant 7 : i32
    %shift_right_arithmetic3A_417 = vector.broadcast %shift_right_arithmetic3A_416 : i32 to vector<16xi32>
    %shift_right_arithmetic3A_418 = arith.shrsi %and3A_397, %shift_right_arithmetic3A_417 : vector<16xi32>
    %shift_left3A_419 = arith.constant 10 : i32
    %shift_left3A_420 = vector.broadcast %shift_left3A_419 : i32 to vector<16xi32>
    %shift_left3A_421 = arith.shli %shift_right_arithmetic3A_418, %shift_left3A_420 : vector<16xi32>
    %add3A_422 = arith.addi %add3A_415, %shift_left3A_421 : vector<16xi32>
    %and3A_423 = arith.constant 127 : i32
    %and3A_424 = vector.broadcast %and3A_423 : i32 to vector<16xi32>
    %and3A_425 = arith.andi %and3A_397, %and3A_424 : vector<16xi32>
    %add3A_426 = arith.addi %add3A_422, %and3A_425 : vector<16xi32>
    %swap3A_427 = arith.constant 144 : index
    %swap3A_428 = tpu.vector_load %arg7[%swap3A_427] {strides = array<i32>} : memref<256xi32, #tpu.memory_space<vmem>>, vector<16xi32>,
    %swap3A_429 = vector.shape_cast %swap3A_428 : vector<16xi32> to vector<16xi32>
    %swap3A_430 = vector.shape_cast %add3A_426 : vector<16xi32> to vector<16xi32>
    tpu.vector_store %arg7[%swap3A_427], %swap3A_430 {strides = array<i32>} : memref<256xi32, #tpu.memory_space<vmem>>, vector<16xi32>,
    %get3A_431 = arith.constant 160 : index
    %get3A_432 = tpu.vector_load %arg6[%get3A_431] {strides = array<i32>} : memref<256xi32, #tpu.memory_space<vmem>>, vector<16xi32>,
    %get3A_433 = vector.shape_cast %get3A_432 : vector<16xi32> to vector<16xi32>
    %and3A_434 = arith.constant 65535 : i32
    %and3A_435 = vector.broadcast %and3A_434 : i32 to vector<16xi32>
    %and3A_436 = arith.andi %get3A_433, %and3A_435 : vector<16xi32>
    %shift_right_arithmetic3A_437 = arith.constant 16 : i32
    %shift_right_arithmetic3A_438 = vector.broadcast %shift_right_arithmetic3A_437 : i32 to vector<16xi32>
    %shift_right_arithmetic3A_439 = arith.shrsi %get3A_433, %shift_right_arithmetic3A_438 : vector<16xi32>
    %shift_right_arithmetic3A_440 = arith.constant 3 : i32
    %shift_right_arithmetic3A_441 = vector.broadcast %shift_right_arithmetic3A_440 : i32 to vector<16xi32>
    %shift_right_arithmetic3A_442 = arith.shrsi %shift_right_arithmetic3A_439, %shift_right_arithmetic3A_441 : vector<16xi32>
    %shift_left3A_443 = arith.constant 12 : i32
    %shift_left3A_444 = vector.broadcast %shift_left3A_443 : i32 to vector<16xi32>
    %shift_left3A_445 = arith.shli %shift_right_arithmetic3A_442, %shift_left3A_444 : vector<16xi32>
    %add3A_446 = vector.broadcast %mul3A_34 : i32 to vector<16xi32>
    %add3A_447 = arith.addi %add3A_446, %shift_left3A_445 : vector<16xi32>
    %and3A_448 = arith.constant 7 : i32
    %and3A_449 = vector.broadcast %and3A_448 : i32 to vector<16xi32>
    %and3A_450 = arith.andi %shift_right_arithmetic3A_439, %and3A_449 : vector<16xi32>
    %shift_left3A_451 = arith.constant 7 : i32
    %shift_left3A_452 = vector.broadcast %shift_left3A_451 : i32 to vector<16xi32>
    %shift_left3A_453 = arith.shli %and3A_450, %shift_left3A_452 : vector<16xi32>
    %add3A_454 = arith.addi %add3A_447, %shift_left3A_453 : vector<16xi32>
    %shift_right_arithmetic3A_455 = arith.constant 7 : i32
    %shift_right_arithmetic3A_456 = vector.broadcast %shift_right_arithmetic3A_455 : i32 to vector<16xi32>
    %shift_right_arithmetic3A_457 = arith.shrsi %and3A_436, %shift_right_arithmetic3A_456 : vector<16xi32>
    %shift_left3A_458 = arith.constant 10 : i32
    %shift_left3A_459 = vector.broadcast %shift_left3A_458 : i32 to vector<16xi32>
    %shift_left3A_460 = arith.shli %shift_right_arithmetic3A_457, %shift_left3A_459 : vector<16xi32>
    %add3A_461 = arith.addi %add3A_454, %shift_left3A_460 : vector<16xi32>
    %and3A_462 = arith.constant 127 : i32
    %and3A_463 = vector.broadcast %and3A_462 : i32 to vector<16xi32>
    %and3A_464 = arith.andi %and3A_436, %and3A_463 : vector<16xi32>
    %add3A_465 = arith.addi %add3A_461, %and3A_464 : vector<16xi32>
    %swap3A_466 = arith.constant 160 : index
    %swap3A_467 = tpu.vector_load %arg7[%swap3A_466] {strides = array<i32>} : memref<256xi32, #tpu.memory_space<vmem>>, vector<16xi32>,
    %swap3A_468 = vector.shape_cast %swap3A_467 : vector<16xi32> to vector<16xi32>
    %swap3A_469 = vector.shape_cast %add3A_465 : vector<16xi32> to vector<16xi32>
    tpu.vector_store %arg7[%swap3A_466], %swap3A_469 {strides = array<i32>} : memref<256xi32, #tpu.memory_space<vmem>>, vector<16xi32>,
    %get3A_470 = arith.constant 176 : index
    %get3A_471 = tpu.vector_load %arg6[%get3A_470] {strides = array<i32>} : memref<256xi32, #tpu.memory_space<vmem>>, vector<16xi32>,
    %get3A_472 = vector.shape_cast %get3A_471 : vector<16xi32> to vector<16xi32>
    %and3A_473 = arith.constant 65535 : i32
    %and3A_474 = vector.broadcast %and3A_473 : i32 to vector<16xi32>
    %and3A_475 = arith.andi %get3A_472, %and3A_474 : vector<16xi32>
    %shift_right_arithmetic3A_476 = arith.constant 16 : i32
    %shift_right_arithmetic3A_477 = vector.broadcast %shift_right_arithmetic3A_476 : i32 to vector<16xi32>
    %shift_right_arithmetic3A_478 = arith.shrsi %get3A_472, %shift_right_arithmetic3A_477 : vector<16xi32>
    %shift_right_arithmetic3A_479 = arith.constant 3 : i32
    %shift_right_arithmetic3A_480 = vector.broadcast %shift_right_arithmetic3A_479 : i32 to vector<16xi32>
    %shift_right_arithmetic3A_481 = arith.shrsi %shift_right_arithmetic3A_478, %shift_right_arithmetic3A_480 : vector<16xi32>
    %shift_left3A_482 = arith.constant 12 : i32
    %shift_left3A_483 = vector.broadcast %shift_left3A_482 : i32 to vector<16xi32>
    %shift_left3A_484 = arith.shli %shift_right_arithmetic3A_481, %shift_left3A_483 : vector<16xi32>
    %add3A_485 = vector.broadcast %mul3A_34 : i32 to vector<16xi32>
    %add3A_486 = arith.addi %add3A_485, %shift_left3A_484 : vector<16xi32>
    %and3A_487 = arith.constant 7 : i32
    %and3A_488 = vector.broadcast %and3A_487 : i32 to vector<16xi32>
    %and3A_489 = arith.andi %shift_right_arithmetic3A_478, %and3A_488 : vector<16xi32>
    %shift_left3A_490 = arith.constant 7 : i32
    %shift_left3A_491 = vector.broadcast %shift_left3A_490 : i32 to vector<16xi32>
    %shift_left3A_492 = arith.shli %and3A_489, %shift_left3A_491 : vector<16xi32>
    %add3A_493 = arith.addi %add3A_486, %shift_left3A_492 : vector<16xi32>
    %shift_right_arithmetic3A_494 = arith.constant 7 : i32
    %shift_right_arithmetic3A_495 = vector.broadcast %shift_right_arithmetic3A_494 : i32 to vector<16xi32>
    %shift_right_arithmetic3A_496 = arith.shrsi %and3A_475, %shift_right_arithmetic3A_495 : vector<16xi32>
    %shift_left3A_497 = arith.constant 10 : i32
    %shift_left3A_498 = vector.broadcast %shift_left3A_497 : i32 to vector<16xi32>
    %shift_left3A_499 = arith.shli %shift_right_arithmetic3A_496, %shift_left3A_498 : vector<16xi32>
    %add3A_500 = arith.addi %add3A_493, %shift_left3A_499 : vector<16xi32>
    %and3A_501 = arith.constant 127 : i32
    %and3A_502 = vector.broadcast %and3A_501 : i32 to vector<16xi32>
    %and3A_503 = arith.andi %and3A_475, %and3A_502 : vector<16xi32>
    %add3A_504 = arith.addi %add3A_500, %and3A_503 : vector<16xi32>
    %swap3A_505 = arith.constant 176 : index
    %swap3A_506 = tpu.vector_load %arg7[%swap3A_505] {strides = array<i32>} : memref<256xi32, #tpu.memory_space<vmem>>, vector<16xi32>,
    %swap3A_507 = vector.shape_cast %swap3A_506 : vector<16xi32> to vector<16xi32>
    %swap3A_508 = vector.shape_cast %add3A_504 : vector<16xi32> to vector<16xi32>
    tpu.vector_store %arg7[%swap3A_505], %swap3A_508 {strides = array<i32>} : memref<256xi32, #tpu.memory_space<vmem>>, vector<16xi32>,
    %get3A_509 = arith.constant 192 : index
    %get3A_510 = tpu.vector_load %arg6[%get3A_509] {strides = array<i32>} : memref<256xi32, #tpu.memory_space<vmem>>, vector<16xi32>,
    %get3A_511 = vector.shape_cast %get3A_510 : vector<16xi32> to vector<16xi32>
    %and3A_512 = arith.constant 65535 : i32
    %and3A_513 = vector.broadcast %and3A_512 : i32 to vector<16xi32>
    %and3A_514 = arith.andi %get3A_511, %and3A_513 : vector<16xi32>
    %shift_right_arithmetic3A_515 = arith.constant 16 : i32
    %shift_right_arithmetic3A_516 = vector.broadcast %shift_right_arithmetic3A_515 : i32 to vector<16xi32>
    %shift_right_arithmetic3A_517 = arith.shrsi %get3A_511, %shift_right_arithmetic3A_516 : vector<16xi32>
    %shift_right_arithmetic3A_518 = arith.constant 3 : i32
    %shift_right_arithmetic3A_519 = vector.broadcast %shift_right_arithmetic3A_518 : i32 to vector<16xi32>
    %shift_right_arithmetic3A_520 = arith.shrsi %shift_right_arithmetic3A_517, %shift_right_arithmetic3A_519 : vector<16xi32>
    %shift_left3A_521 = arith.constant 12 : i32
    %shift_left3A_522 = vector.broadcast %shift_left3A_521 : i32 to vector<16xi32>
    %shift_left3A_523 = arith.shli %shift_right_arithmetic3A_520, %shift_left3A_522 : vector<16xi32>
    %add3A_524 = vector.broadcast %mul3A_34 : i32 to vector<16xi32>
    %add3A_525 = arith.addi %add3A_524, %shift_left3A_523 : vector<16xi32>
    %and3A_526 = arith.constant 7 : i32
    %and3A_527 = vector.broadcast %and3A_526 : i32 to vector<16xi32>
    %and3A_528 = arith.andi %shift_right_arithmetic3A_517, %and3A_527 : vector<16xi32>
    %shift_left3A_529 = arith.constant 7 : i32
    %shift_left3A_530 = vector.broadcast %shift_left3A_529 : i32 to vector<16xi32>
    %shift_left3A_531 = arith.shli %and3A_528, %shift_left3A_530 : vector<16xi32>
    %add3A_532 = arith.addi %add3A_525, %shift_left3A_531 : vector<16xi32>
    %shift_right_arithmetic3A_533 = arith.constant 7 : i32
    %shift_right_arithmetic3A_534 = vector.broadcast %shift_right_arithmetic3A_533 : i32 to vector<16xi32>
    %shift_right_arithmetic3A_535 = arith.shrsi %and3A_514, %shift_right_arithmetic3A_534 : vector<16xi32>
    %shift_left3A_536 = arith.constant 10 : i32
    %shift_left3A_537 = vector.broadcast %shift_left3A_536 : i32 to vector<16xi32>
    %shift_left3A_538 = arith.shli %shift_right_arithmetic3A_535, %shift_left3A_537 : vector<16xi32>
    %add3A_539 = arith.addi %add3A_532, %shift_left3A_538 : vector<16xi32>
    %and3A_540 = arith.constant 127 : i32
    %and3A_541 = vector.broadcast %and3A_540 : i32 to vector<16xi32>
    %and3A_542 = arith.andi %and3A_514, %and3A_541 : vector<16xi32>
    %add3A_543 = arith.addi %add3A_539, %and3A_542 : vector<16xi32>
    %swap3A_544 = arith.constant 192 : index
    %swap3A_545 = tpu.vector_load %arg7[%swap3A_544] {strides = array<i32>} : memref<256xi32, #tpu.memory_space<vmem>>, vector<16xi32>,
    %swap3A_546 = vector.shape_cast %swap3A_545 : vector<16xi32> to vector<16xi32>
    %swap3A_547 = vector.shape_cast %add3A_543 : vector<16xi32> to vector<16xi32>
    tpu.vector_store %arg7[%swap3A_544], %swap3A_547 {strides = array<i32>} : memref<256xi32, #tpu.memory_space<vmem>>, vector<16xi32>,
    %get3A_548 = arith.constant 208 : index
    %get3A_549 = tpu.vector_load %arg6[%get3A_548] {strides = array<i32>} : memref<256xi32, #tpu.memory_space<vmem>>, vector<16xi32>,
    %get3A_550 = vector.shape_cast %get3A_549 : vector<16xi32> to vector<16xi32>
    %and3A_551 = arith.constant 65535 : i32
    %and3A_552 = vector.broadcast %and3A_551 : i32 to vector<16xi32>
    %and3A_553 = arith.andi %get3A_550, %and3A_552 : vector<16xi32>
    %shift_right_arithmetic3A_554 = arith.constant 16 : i32
    %shift_right_arithmetic3A_555 = vector.broadcast %shift_right_arithmetic3A_554 : i32 to vector<16xi32>
    %shift_right_arithmetic3A_556 = arith.shrsi %get3A_550, %shift_right_arithmetic3A_555 : vector<16xi32>
    %shift_right_arithmetic3A_557 = arith.constant 3 : i32
    %shift_right_arithmetic3A_558 = vector.broadcast %shift_right_arithmetic3A_557 : i32 to vector<16xi32>
    %shift_right_arithmetic3A_559 = arith.shrsi %shift_right_arithmetic3A_556, %shift_right_arithmetic3A_558 : vector<16xi32>
    %shift_left3A_560 = arith.constant 12 : i32
    %shift_left3A_561 = vector.broadcast %shift_left3A_560 : i32 to vector<16xi32>
    %shift_left3A_562 = arith.shli %shift_right_arithmetic3A_559, %shift_left3A_561 : vector<16xi32>
    %add3A_563 = vector.broadcast %mul3A_34 : i32 to vector<16xi32>
    %add3A_564 = arith.addi %add3A_563, %shift_left3A_562 : vector<16xi32>
    %and3A_565 = arith.constant 7 : i32
    %and3A_566 = vector.broadcast %and3A_565 : i32 to vector<16xi32>
    %and3A_567 = arith.andi %shift_right_arithmetic3A_556, %and3A_566 : vector<16xi32>
    %shift_left3A_568 = arith.constant 7 : i32
    %shift_left3A_569 = vector.broadcast %shift_left3A_568 : i32 to vector<16xi32>
    %shift_left3A_570 = arith.shli %and3A_567, %shift_left3A_569 : vector<16xi32>
    %add3A_571 = arith.addi %add3A_564, %shift_left3A_570 : vector<16xi32>
    %shift_right_arithmetic3A_572 = arith.constant 7 : i32
    %shift_right_arithmetic3A_573 = vector.broadcast %shift_right_arithmetic3A_572 : i32 to vector<16xi32>
    %shift_right_arithmetic3A_574 = arith.shrsi %and3A_553, %shift_right_arithmetic3A_573 : vector<16xi32>
    %shift_left3A_575 = arith.constant 10 : i32
    %shift_left3A_576 = vector.broadcast %shift_left3A_575 : i32 to vector<16xi32>
    %shift_left3A_577 = arith.shli %shift_right_arithmetic3A_574, %shift_left3A_576 : vector<16xi32>
    %add3A_578 = arith.addi %add3A_571, %shift_left3A_577 : vector<16xi32>
    %and3A_579 = arith.constant 127 : i32
    %and3A_580 = vector.broadcast %and3A_579 : i32 to vector<16xi32>
    %and3A_581 = arith.andi %and3A_553, %and3A_580 : vector<16xi32>
    %add3A_582 = arith.addi %add3A_578, %and3A_581 : vector<16xi32>
    %swap3A_583 = arith.constant 208 : index
    %swap3A_584 = tpu.vector_load %arg7[%swap3A_583] {strides = array<i32>} : memref<256xi32, #tpu.memory_space<vmem>>, vector<16xi32>,
    %swap3A_585 = vector.shape_cast %swap3A_584 : vector<16xi32> to vector<16xi32>
    %swap3A_586 = vector.shape_cast %add3A_582 : vector<16xi32> to vector<16xi32>
    tpu.vector_store %arg7[%swap3A_583], %swap3A_586 {strides = array<i32>} : memref<256xi32, #tpu.memory_space<vmem>>, vector<16xi32>,
    %get3A_587 = arith.constant 224 : index
    %get3A_588 = tpu.vector_load %arg6[%get3A_587] {strides = array<i32>} : memref<256xi32, #tpu.memory_space<vmem>>, vector<16xi32>,
    %get3A_589 = vector.shape_cast %get3A_588 : vector<16xi32> to vector<16xi32>
    %and3A_590 = arith.constant 65535 : i32
    %and3A_591 = vector.broadcast %and3A_590 : i32 to vector<16xi32>
    %and3A_592 = arith.andi %get3A_589, %and3A_591 : vector<16xi32>
    %shift_right_arithmetic3A_593 = arith.constant 16 : i32
    %shift_right_arithmetic3A_594 = vector.broadcast %shift_right_arithmetic3A_593 : i32 to vector<16xi32>
    %shift_right_arithmetic3A_595 = arith.shrsi %get3A_589, %shift_right_arithmetic3A_594 : vector<16xi32>
    %shift_right_arithmetic3A_596 = arith.constant 3 : i32
    %shift_right_arithmetic3A_597 = vector.broadcast %shift_right_arithmetic3A_596 : i32 to vector<16xi32>
    %shift_right_arithmetic3A_598 = arith.shrsi %shift_right_arithmetic3A_595, %shift_right_arithmetic3A_597 : vector<16xi32>
    %shift_left3A_599 = arith.constant 12 : i32
    %shift_left3A_600 = vector.broadcast %shift_left3A_599 : i32 to vector<16xi32>
    %shift_left3A_601 = arith.shli %shift_right_arithmetic3A_598, %shift_left3A_600 : vector<16xi32>
    %add3A_602 = vector.broadcast %mul3A_34 : i32 to vector<16xi32>
    %add3A_603 = arith.addi %add3A_602, %shift_left3A_601 : vector<16xi32>
    %and3A_604 = arith.constant 7 : i32
    %and3A_605 = vector.broadcast %and3A_604 : i32 to vector<16xi32>
    %and3A_606 = arith.andi %shift_right_arithmetic3A_595, %and3A_605 : vector<16xi32>
    %shift_left3A_607 = arith.constant 7 : i32
    %shift_left3A_608 = vector.broadcast %shift_left3A_607 : i32 to vector<16xi32>
    %shift_left3A_609 = arith.shli %and3A_606, %shift_left3A_608 : vector<16xi32>
    %add3A_610 = arith.addi %add3A_603, %shift_left3A_609 : vector<16xi32>
    %shift_right_arithmetic3A_611 = arith.constant 7 : i32
    %shift_right_arithmetic3A_612 = vector.broadcast %shift_right_arithmetic3A_611 : i32 to vector<16xi32>
    %shift_right_arithmetic3A_613 = arith.shrsi %and3A_592, %shift_right_arithmetic3A_612 : vector<16xi32>
    %shift_left3A_614 = arith.constant 10 : i32
    %shift_left3A_615 = vector.broadcast %shift_left3A_614 : i32 to vector<16xi32>
    %shift_left3A_616 = arith.shli %shift_right_arithmetic3A_613, %shift_left3A_615 : vector<16xi32>
    %add3A_617 = arith.addi %add3A_610, %shift_left3A_616 : vector<16xi32>
    %and3A_618 = arith.constant 127 : i32
    %and3A_619 = vector.broadcast %and3A_618 : i32 to vector<16xi32>
    %and3A_620 = arith.andi %and3A_592, %and3A_619 : vector<16xi32>
    %add3A_621 = arith.addi %add3A_617, %and3A_620 : vector<16xi32>
    %swap3A_622 = arith.constant 224 : index
    %swap3A_623 = tpu.vector_load %arg7[%swap3A_622] {strides = array<i32>} : memref<256xi32, #tpu.memory_space<vmem>>, vector<16xi32>,
    %swap3A_624 = vector.shape_cast %swap3A_623 : vector<16xi32> to vector<16xi32>
    %swap3A_625 = vector.shape_cast %add3A_621 : vector<16xi32> to vector<16xi32>
    tpu.vector_store %arg7[%swap3A_622], %swap3A_625 {strides = array<i32>} : memref<256xi32, #tpu.memory_space<vmem>>, vector<16xi32>,
    %get3A_626 = arith.constant 240 : index
    %get3A_627 = tpu.vector_load %arg6[%get3A_626] {strides = array<i32>} : memref<256xi32, #tpu.memory_space<vmem>>, vector<16xi32>,
    %get3A_628 = vector.shape_cast %get3A_627 : vector<16xi32> to vector<16xi32>
    %and3A_629 = arith.constant 65535 : i32
    %and3A_630 = vector.broadcast %and3A_629 : i32 to vector<16xi32>
    %and3A_631 = arith.andi %get3A_628, %and3A_630 : vector<16xi32>
    %shift_right_arithmetic3A_632 = arith.constant 16 : i32
    %shift_right_arithmetic3A_633 = vector.broadcast %shift_right_arithmetic3A_632 : i32 to vector<16xi32>
    %shift_right_arithmetic3A_634 = arith.shrsi %get3A_628, %shift_right_arithmetic3A_633 : vector<16xi32>
    %shift_right_arithmetic3A_635 = arith.constant 3 : i32
    %shift_right_arithmetic3A_636 = vector.broadcast %shift_right_arithmetic3A_635 : i32 to vector<16xi32>
    %shift_right_arithmetic3A_637 = arith.shrsi %shift_right_arithmetic3A_634, %shift_right_arithmetic3A_636 : vector<16xi32>
    %shift_left3A_638 = arith.constant 12 : i32
    %shift_left3A_639 = vector.broadcast %shift_left3A_638 : i32 to vector<16xi32>
    %shift_left3A_640 = arith.shli %shift_right_arithmetic3A_637, %shift_left3A_639 : vector<16xi32>
    %add3A_641 = vector.broadcast %mul3A_34 : i32 to vector<16xi32>
    %add3A_642 = arith.addi %add3A_641, %shift_left3A_640 : vector<16xi32>
    %and3A_643 = arith.constant 7 : i32
    %and3A_644 = vector.broadcast %and3A_643 : i32 to vector<16xi32>
    %and3A_645 = arith.andi %shift_right_arithmetic3A_634, %and3A_644 : vector<16xi32>
    %shift_left3A_646 = arith.constant 7 : i32
    %shift_left3A_647 = vector.broadcast %shift_left3A_646 : i32 to vector<16xi32>
    %shift_left3A_648 = arith.shli %and3A_645, %shift_left3A_647 : vector<16xi32>
    %add3A_649 = arith.addi %add3A_642, %shift_left3A_648 : vector<16xi32>
    %shift_right_arithmetic3A_650 = arith.constant 7 : i32
    %shift_right_arithmetic3A_651 = vector.broadcast %shift_right_arithmetic3A_650 : i32 to vector<16xi32>
    %shift_right_arithmetic3A_652 = arith.shrsi %and3A_631, %shift_right_arithmetic3A_651 : vector<16xi32>
    %shift_left3A_653 = arith.constant 10 : i32
    %shift_left3A_654 = vector.broadcast %shift_left3A_653 : i32 to vector<16xi32>
    %shift_left3A_655 = arith.shli %shift_right_arithmetic3A_652, %shift_left3A_654 : vector<16xi32>
    %add3A_656 = arith.addi %add3A_649, %shift_left3A_655 : vector<16xi32>
    %and3A_657 = arith.constant 127 : i32
    %and3A_658 = vector.broadcast %and3A_657 : i32 to vector<16xi32>
    %and3A_659 = arith.andi %and3A_631, %and3A_658 : vector<16xi32>
    %add3A_660 = arith.addi %add3A_656, %and3A_659 : vector<16xi32>
    %swap3A_661 = arith.constant 240 : index
    %swap3A_662 = tpu.vector_load %arg7[%swap3A_661] {strides = array<i32>} : memref<256xi32, #tpu.memory_space<vmem>>, vector<16xi32>,
    %swap3A_663 = vector.shape_cast %swap3A_662 : vector<16xi32> to vector<16xi32>
    %swap3A_664 = vector.shape_cast %add3A_660 : vector<16xi32> to vector<16xi32>
    tpu.vector_store %arg7[%swap3A_661], %swap3A_664 {strides = array<i32>} : memref<256xi32, #tpu.memory_space<vmem>>, vector<16xi32>,
    %dma_start3A = arith.constant 0 : i32
    %dma_start3A_665 = tpu.memref_slice %arg8[%dma_start3A] : memref<256xf32, #tpu.memory_space<vmem>> -> memref<128xf32, #tpu.memory_space<vmem>>
    %dma_start3A_666 = arith.constant 0 : i32
    %dma_start3A_667 = tpu.memref_slice %arg7[%dma_start3A_666] : memref<256xi32, #tpu.memory_space<vmem>> -> memref<128xi32, #tpu.memory_space<vmem>>
    %dma_start3A_668 = arith.constant 0 : i32
    %dma_start3A_669 = tpu.memref_slice %arg2[%dma_start3A_668] : memref<4194304xf32, #tpu.memory_space<hbm>> -> memref<4194304xf32, #tpu.memory_space<hbm>>
    tpu.enqueue_indirect_dma source(%dma_start3A_669 : memref<4194304xf32, #tpu.memory_space<hbm>>) target(%dma_start3A_665 : memref<128xf32, #tpu.memory_space<vmem>>) offsets(%dma_start3A_667 : memref<128xi32, #tpu.memory_space<vmem>>) semaphore(%arg9 : memref<!tpu.dma_semaphore, #tpu.memory_space<semaphore_mem>>)
    %dma_start3A_670 = arith.constant 128 : i32
    %dma_start3A_671 = tpu.memref_slice %arg8[%dma_start3A_670] : memref<256xf32, #tpu.memory_space<vmem>> -> memref<128xf32, #tpu.memory_space<vmem>>
    %dma_start3A_672 = arith.constant 128 : i32
    %dma_start3A_673 = tpu.memref_slice %arg7[%dma_start3A_672] : memref<256xi32, #tpu.memory_space<vmem>> -> memref<128xi32, #tpu.memory_space<vmem>>
    %dma_start3A_674 = arith.constant 0 : i32
    %dma_start3A_675 = tpu.memref_slice %arg2[%dma_start3A_674] : memref<4194304xf32, #tpu.memory_space<hbm>> -> memref<4194304xf32, #tpu.memory_space<hbm>>
    tpu.enqueue_indirect_dma source(%dma_start3A_675 : memref<4194304xf32, #tpu.memory_space<hbm>>) target(%dma_start3A_671 : memref<128xf32, #tpu.memory_space<vmem>>) offsets(%dma_start3A_673 : memref<128xi32, #tpu.memory_space<vmem>>) semaphore(%arg9 : memref<!tpu.dma_semaphore, #tpu.memory_space<semaphore_mem>>)
    %dma_wait3A = arith.constant 0 : i32
    %dma_wait3A_676 = tpu.memref_slice %arg8[%dma_wait3A] : memref<256xf32, #tpu.memory_space<vmem>> -> memref<128xf32, #tpu.memory_space<vmem>>
    %dma_wait3A_677 = arith.constant 0 : i32
    %dma_wait3A_678 = tpu.memref_slice %arg7[%dma_wait3A_677] : memref<256xi32, #tpu.memory_space<vmem>> -> memref<128xi32, #tpu.memory_space<vmem>>
    %dma_wait3A_679 = arith.constant 0 : i32
    %dma_wait3A_680 = tpu.memref_slice %arg2[%dma_wait3A_679] : memref<4194304xf32, #tpu.memory_space<hbm>> -> memref<4194304xf32, #tpu.memory_space<hbm>>
    tpu.wait_indirect_dma semaphore(%arg9 : memref<!tpu.dma_semaphore, #tpu.memory_space<semaphore_mem>>) src(%dma_wait3A_680 : memref<4194304xf32, #tpu.memory_space<hbm>>) dst(%dma_wait3A_676 : memref<128xf32, #tpu.memory_space<vmem>>)
    %dma_wait3A_681 = arith.constant 128 : i32
    %dma_wait3A_682 = tpu.memref_slice %arg8[%dma_wait3A_681] : memref<256xf32, #tpu.memory_space<vmem>> -> memref<128xf32, #tpu.memory_space<vmem>>
    %dma_wait3A_683 = arith.constant 128 : i32
    %dma_wait3A_684 = tpu.memref_slice %arg7[%dma_wait3A_683] : memref<256xi32, #tpu.memory_space<vmem>> -> memref<128xi32, #tpu.memory_space<vmem>>
    %dma_wait3A_685 = arith.constant 0 : i32
    %dma_wait3A_686 = tpu.memref_slice %arg2[%dma_wait3A_685] : memref<4194304xf32, #tpu.memory_space<hbm>> -> memref<4194304xf32, #tpu.memory_space<hbm>>
    tpu.wait_indirect_dma semaphore(%arg9 : memref<!tpu.dma_semaphore, #tpu.memory_space<semaphore_mem>>) src(%dma_wait3A_686 : memref<4194304xf32, #tpu.memory_space<hbm>>) dst(%dma_wait3A_682 : memref<128xf32, #tpu.memory_space<vmem>>)
    "tpu.region"() ({
      %run_scoped3A = tpu.sem_alloc : memref<!tpu.dma_semaphore, #tpu.memory_space<semaphore_mem>>
      %dma_start3A_687 = tpu.memref_slice %arg5[%mul3A_2] : memref<8192xf32, #tpu.memory_space<hbm>> -> memref<256xf32, #tpu.memory_space<hbm>>
      %dma_start3A_688 = tpu.memref_slice %arg5[%mul3A_2] : memref<8192xf32, #tpu.memory_space<hbm>> -> memref<256xf32, #tpu.memory_space<hbm>>
      tpu.enqueue_dma source(%arg8 : memref<256xf32, #tpu.memory_space<vmem>>) target(%dma_start3A_688 : memref<256xf32, #tpu.memory_space<hbm>>) target_semaphore(%run_scoped3A : memref<!tpu.dma_semaphore, #tpu.memory_space<semaphore_mem>>)
      %dma_wait3A_689 = tpu.memref_slice %arg5[%mul3A_2] : memref<8192xf32, #tpu.memory_space<hbm>> -> memref<256xf32, #tpu.memory_space<hbm>>
      %dma_wait3A_690 = tpu.memref_slice %arg5[%mul3A_2] : memref<8192xf32, #tpu.memory_space<hbm>> -> memref<256xf32, #tpu.memory_space<hbm>>
      tpu.wait_dma2 semaphore(%run_scoped3A : memref<!tpu.dma_semaphore, #tpu.memory_space<semaphore_mem>>) src(%arg8 : memref<256xf32, #tpu.memory_space<vmem>>) dst(%dma_wait3A_690 : memref<256xf32, #tpu.memory_space<hbm>>)
      tpu.yield
    }) : () -> ()
    return
  }
}

module attributes {stable_mosaic.version = 14 : i64} {
  func.func @_bce_mean_body(%arg0: memref<64x128xf32, #tpu.memory_space<vmem>>, %arg1: memref<1x1xf32, #tpu.memory_space<vmem>>) attributes {dimension_semantics = [], scalar_prefetch = 0 : i64, scratch_operands = 0 : i64, tpu.core_type = #tpu.core_type<tc>} {
    %get3A = arith.constant 0 : index
    %get3A_0 = arith.constant 0 : index
    %get3A_1 = vector.load %arg0[%get3A, %get3A_0] : memref<64x128xf32, #tpu.memory_space<vmem>>, vector<64x128xf32>
    %iota3A = tpu.iota {dimensions = array<i32: 0>} : vector<64x128xi32>
    %and3A = arith.constant 3 : i32
    %and3A_2 = vector.broadcast %and3A : i32 to vector<64x128xi32>
    %and3A_3 = arith.andi %iota3A, %and3A_2 : vector<64x128xi32>
    %lt3A = arith.constant 2 : i32
    %lt3A_4 = vector.broadcast %lt3A : i32 to vector<64x128xi32>
    %lt3A_5 = arith.cmpi slt, %and3A_3, %lt3A_4 : vector<64x128xi32>
    %jit3A = arith.constant 1.000000e+00 : f32
    %jit3A_6 = arith.constant 0.000000e+00 : f32
    %broadcast_in_dim3A = vector.broadcast %jit3A : f32 to vector<64x128xf32>
    %broadcast_in_dim3A_7 = vector.broadcast %jit3A_6 : f32 to vector<64x128xf32>
    %select_n3A = arith.select %lt3A_5, %broadcast_in_dim3A, %broadcast_in_dim3A_7 : vector<64x128xi1>, vector<64x128xf32>
    %max3A = arith.constant 0.000000e+00 : f32
    %max3A_8 = vector.broadcast %max3A : f32 to vector<64x128xf32>
    %max3A_9 = arith.maximumf %get3A_1, %max3A_8 : vector<64x128xf32>
    %mul3A = arith.mulf %get3A_1, %select_n3A : vector<64x128xf32>
    %sub3A = arith.subf %max3A_9, %mul3A : vector<64x128xf32>
    %abs3A = math.absf %get3A_1 : vector<64x128xf32>
    %neg3A = arith.constant 0.000000e+00 : f32
    %neg3A_10 = vector.broadcast %neg3A : f32 to vector<64x128xf32>
    %neg3A_11 = arith.subf %neg3A_10, %abs3A : vector<64x128xf32>
    %exp3A = math.exp %neg3A_11 : vector<64x128xf32>
    %log1p3A = math.log1p %exp3A : vector<64x128xf32>
    %add3A = arith.addf %sub3A, %log1p3A : vector<64x128xf32>
    %reduce_sum3A = vector.shape_cast %add3A : vector<64x128xf32> to vector<1x64x128xf32>
    %reduce_sum3A_12 = arith.constant dense<0.000000e+00> : vector<1xf32>
    %reduce_sum3A_13 = vector.multi_reduction <add>, %reduce_sum3A, %reduce_sum3A_12 [1, 2] : vector<1x64x128xf32> to vector<1xf32>
    %reduce_sum3A_14 = vector.shape_cast %reduce_sum3A_13 : vector<1xf32> to vector<1x1x1xf32>
    %reduce_sum3A_15 = vector.extract %reduce_sum3A_14[0, 0, 0] : f32 from vector<1x1x1xf32>
    %mul3A_16 = arith.constant 1.22070313E-4 : f32
    %mul3A_17 = arith.mulf %reduce_sum3A_15, %mul3A_16 : f32
    %reshape3A = vector.broadcast %mul3A_17 : f32 to vector<1x1xf32>
    %swap3A = arith.constant 0 : index
    %swap3A_18 = arith.constant 0 : index
    %swap3A_19 = vector.load %arg1[%swap3A, %swap3A_18] : memref<1x1xf32, #tpu.memory_space<vmem>>, vector<1x1xf32>
    tpu.vector_store %arg1[%swap3A, %swap3A_18], %reshape3A {strides = array<i32>} : memref<1x1xf32, #tpu.memory_space<vmem>>, vector<1x1xf32>,
    return
  }
}

</mosaic_0001>

<sc_bundles>
// kernel: kernel.4.cloned.1.call-start
scs
__scs_entry_jumppad:
0x0: {  	(pc) =	sbr.rel $0x88, $3  }
0x1: {  	(tag) =	ssettag $0x0;
	lr =	simm.s32 $0x1  }
0x2: {  	[smem:$0x3F9E] =	sst lr;
	_ =	strace $0xD0000000  }
0x3: {  	_ = 	snop  }
0x4: {  	_ = 	snop  }
0x5: {  	_ = 	snop  }
0x6: {  	_ = 	snop  }
0x7: {  	_ = 	snop  }
__scs_overlays_trampoline_lowered:
0x8: {  	[smem:$0x3FAD] =	sst s0  }
0x9: {  	[smem:$0x3FAE] =	sst s1  }
0xa: {  	[smem:$0x3FAF] =	sst s2  }
0xb: {  	[smem:$0x3FB0] =	sst s3  }
0xc: {  	[smem:$0x3FB1] =	sst s4  }
0xd: {  	[smem:$0x3FB2] =	sst s5  }
0xe: {  	[smem:$0x3FB3] =	sst s6  }
0xf: {  	[smem:$0x3FB4] =	sst s7  }
0x10: {  	[smem:$0x3FB5] =	sst s8  }
0x11: {  	[smem:$0x3FB6] =	sst s9;
	s0 =	simm.s32 @!p0 $0x0  }
0x12: {  	s1 =	sld [smem:$0x3F9C];
	s0 =	simm.s32 @p0 $0x1  }
0x13: {  	[smem:$0x3FB7] =	sst s0;
	s0 =	simm.s32 @!p1 $0x0  }
0x14: {  	s2 =	sld [smem:$0x3F9B];
	s0 =	simm.s32 @p1 $0x1  }
0x15: {  	[smem:$0x3FB8] =	sst s0;
	s0 =	simm.s32 @!p2 $0x0  }
0x16: {  	s3 =	sld [smem:$0x3FDB];
	s0 =	simm.s32 @p2 $0x1  }
0x17: {  	s4 =	simm.s32 $0x1BF5;
	[smem:$0x3FBA] =	sst s0  }
0x18: {  	s0 =	sld [smem:$0x3F9D];
	_ =	swait.ge [sflag:s4], $0x0  }
0x19: {  	s7 =	sld [smem:$0x3F9E]  }
0x1a: {  	s8 =	sadd.s32 $0xFFFFE003, lr  }
0x1b: {  	s9 =	sadd.s32 $0xFFFFFEF7, lr;
	s5 =	simm.s32 $0xFFFFFFFF;
	p2 =	slt.u32 s8, $0xFFFFF086  }
0x1c: {  	p1 =	slt.u32 s9, $0xF7A;
	s5 =	simm.s32 @!p2 $0x0  }
0x1d: {  	s5 =	simm.s32 @p1 $0x1;
	p0 =	seq.s32 s7, s2  }
0x1e: {  	s7 =	smul.u32 @!p0 $0xF7A, s2;
	p2 =	seq.s32 @!p0 s5, $0x0  }
0x1f: {  	s9 =	smul.u32 $0xF7A, s1;
	s8 =	simm.s32 @!p0 $0x1BF5;
	p2 =	por !p2, p0  }
0x20: {  	[sflag:s8] =	ssyncset.s32 @!p0 $0xFFFFF086;
	s6 =	sadd.s32 @!p0 s3, s7;
	s7 =	simm.s32 @!p0 $0x108  }
0x21: {  	s3 =	sadd.s32 s3, s9;
	s6 =	sadd.s32 @!p0 $0x88, s6;
	s7 =	simm.s32 @p2 $0x1082  }
0x22: {  	[simem:s7], [sflag:s8] =	dma.local @!p0 [hbm:s6], $0xF7A  }
0x23: {  	s9 =	sor.u32 $0xD0000000, s2;
	s6 =	simm.s32 $0x108;
	_ =	swait.ge @!p0 [sflag:s8], $0x0  }
0x24: {  	s3 =	sadd.s32 $0x88, s3;
	s6 =	simm.s32 @!p1 $0x1082;
	[sflag:s4] =	ssyncset.s32 $0xFFFFF086  }
0x25: {  	[simem:s6], [sflag:s4] =	dma.local [hbm:s3], $0xF7A  }
0x26: {  	[smem:$0x3F9E] =	sst s1;
	(tag) =	ssettag s2;
	_ =	strace s9  }
0x27: {  	s1 =	sld [smem:$0x3FAE]  }
0x28: {  	s2 =	sld [smem:$0x3FAF]  }
0x29: {  	s4 =	sld [smem:$0x3FB1]  }
0x2a: {  	p0 =	seq.s32 s5, $0x0;
	s5 =	sld [smem:$0x3FB2]  }
0x2b: {  	s6 =	sld [smem:$0x3FB3]  }
0x2c: {  	s7 =	sld [smem:$0x3FB4]  }
0x2d: {  	s3 =	simm.s32 $0x108;
	s8 =	sld [smem:$0x3FB5]  }
0x2e: {  	s3 =	simm.s32 @!p0 $0x1082;
	s9 =	sld [smem:$0x3FB6]  }
0x2f: {  	lr =	sadd.s32 s0, s3;
	s0 =	sld [smem:$0x3FAD]  }
0x30: {  	s3 =	sld [smem:$0x3FB0]  }
0x31: {  	[smem:$0x3FB9] =	sst s10  }
0x32: {  	s10 =	sld [smem:$0x3FB7];
	_ =	sdelay $0x3  }
0x33: {  	p0 =	seq.s32 s10, $0x1;
	s10 =	sld [smem:$0x3FB9];
	_ =	sdelay $0x3  }
0x34: {  	[smem:$0x3FB9] =	sst s10  }
0x35: {  	s10 =	sld [smem:$0x3FB8];
	_ =	sdelay $0x3  }
0x36: {  	p1 =	seq.s32 s10, $0x1;
	s10 =	sld [smem:$0x3FB9];
	_ =	sdelay $0x3  }
0x37: {  	[smem:$0x3FB9] =	sst s10  }
0x38: {  	s10 =	sld [smem:$0x3FBA]  }
0x39: {  	_ = 	snop;
	(pc) =	sbr.ind lr, $3  }
0x3a: {  	_ = 	snop  }
0x3b: {  	_ = 	snop  }
0x3c: {  	p2 =	seq.s32 s10, $0x1;
	s10 =	sld [smem:$0x3FB9]  }
0x3d: {  	_ =	shalt  }
0x3e: {  	_ =	shalt  }
0x3f: {  	_ =	shalt  }
0x40: {  	_ =	shalt  }
0x41: {  	_ =	shalt  }
0x42: {  	_ =	shalt  }
0x43: {  	_ =	shalt  }
0x44: {  	_ =	shalt  }
0x45: {  	_ =	shalt  }
0x46: {  	_ =	shalt  }
0x47: {  	_ =	shalt  }
0x48: {  	_ =	shalt  }
0x49: {  	_ =	shalt  }
0x4a: {  	_ =	shalt  }
0x4b: {  	_ =	shalt  }
0x4c: {  	_ =	shalt  }
0x4d: {  	_ =	shalt  }
0x4e: {  	_ =	shalt  }
0x4f: {  	_ =	shalt  }
0x50: {  	_ =	shalt  }
0x51: {  	_ =	shalt  }
0x52: {  	_ =	shalt  }
0x53: {  	_ =	shalt  }
0x54: {  	_ =	shalt  }
0x55: {  	_ =	shalt  }
0x56: {  	_ =	shalt  }
0x57: {  	_ =	shalt  }
0x58: {  	_ =	shalt  }
0x59: {  	_ =	shalt  }
0x5a: {  	_ =	shalt  }
0x5b: {  	_ =	shalt  }
0x5c: {  	_ =	shalt  }
0x5d: {  	_ =	shalt  }
0x5e: {  	_ =	shalt  }
0x5f: {  	_ =	shalt  }
0x60: {  	_ =	shalt  }
0x61: {  	_ =	shalt  }
0x62: {  	_ =	shalt  }
0x63: {  	_ =	shalt  }
0x64: {  	_ =	shalt  }
0x65: {  	_ =	shalt  }
0x66: {  	_ =	shalt  }
0x67: {  	_ =	shalt  }
0x68: {  	_ =	shalt  }
0x69: {  	_ =	shalt  }
0x6a: {  	_ =	shalt  }
0x6b: {  	_ =	shalt  }
0x6c: {  	_ =	shalt  }
0x6d: {  	_ =	shalt  }
0x6e: {  	_ =	shalt  }
0x6f: {  	_ =	shalt  }
0x70: {  	_ =	shalt  }
0x71: {  	_ =	shalt  }
0x72: {  	_ =	shalt  }
0x73: {  	_ =	shalt  }
0x74: {  	_ =	shalt  }
0x75: {  	_ =	shalt  }
0x76: {  	_ =	shalt  }
0x77: {  	_ =	shalt  }
0x78: {  	_ =	shalt  }
0x79: {  	_ =	shalt  }
0x7a: {  	_ =	shalt  }
0x7b: {  	_ =	shalt  }
0x7c: {  	_ =	shalt  }
0x7d: {  	_ =	shalt  }
0x7e: {  	_ =	shalt  }
0x7f: {  	_ =	shalt  }
0x80: {  	_ =	shalt  }
0x81: {  	_ =	shalt  }
0x82: {  	_ =	shalt  }
0x83: {  	_ =	shalt  }
0x84: {  	_ =	shalt  }
0x85: {  	_ =	shalt  }
0x86: {  	_ =	shalt  }
0x87: {  	_ =	shalt  }
.Lfunc_end0:
.L_simem_size_0:
called_computation_lowered:
.L_overlay_start_0:
0x88: {  	s2 =	sld [smem:$0x3FD9]  }
0x89: {  	s3 =	sld [smem:$0x3FFE];
	_ =	sdelay $0x1  }
0x8a: {  	s1 =	srdreg.scid  }
0x8b: {  	s0 =	sand.u32 $0x1, s1  }
0x8c: {  	s17 =	sshll.u32 s0, $0xA;
	s2 =	sadd.s32 s3, s2  }
0x8d: {  	s2 =	sadd.s32 s2, s17  }
0x8e: {  	[smem:$0x3FC5] =	sst s2  }
0x8f: {  	_ = 	snop  }
0x90: {  	s2 =	sld [smem:$0x3FC9];
	(tm) =	ssettm $0x1  }
0x91: {  	s18 =	sld [smem:$0x3FFB];
	_ =	sdelay $0x3  }
0x92: {  	_ =	strace s18  }
0x93: {  	s3 =	sld [smem:$0x3FFC];
	_ =	sdelay $0x3  }
0x94: {  	_ =	strace s3  }
0x95: {  	s3 =	sld [smem:$0x3FFD];
	_ =	sdelay $0x3  }
0x96: {  	_ =	strace s3  }
0x97: {  	_ =	strace $0x8FFFFFFF  }
0x98: {  	s19 =	sld [smem:$0x3FDB];
	_ =	sdelay $0x1  }
0x99: {  	s4 =	simm.s32 $_scs_section_size  }
0x9a: {  	s5 =	simm.s32 $_size__tile_overlayer_lowered;
	s6 =	simm.s32 $_tile_overlayer_lowered  }
0x9b: {  	s22 =	simm.s32 $0x1BFF;
	s21 =	sshll.u32 s6, $0x1;
	s3 =	sadd.s32 s4, s19  }
0x9c: {  	s7 =	simm.s32 $0x0;
	s20 =	sshll.u32 s5, $0x1;
	s5 =	sadd.s32 s21, s3  }
0x9d: {  	[timem:s7], [sflag:s22] =	dma.local [hbm:s5], s20  }
0x9e: {  	_ =	swait.ge [sflag:s22], s20  }
0x9f: {  	s4 =	ssub.s32 $0x0, s20;
	[sflag:s22] =	ssyncset.done $0x0  }
0xa0: {  	[sflag:s22] =	ssyncadd.s32 s4;
	_ =	sdelay $0x1  }
0xa1: {  	s23 =	simm.s32 $0x1B8B  }
0xa2: {  	_ =	swait.ge [sflag:s23], $0x1  }
0xa3: {  	[sflag:s23] =	ssyncset.done $0x0  }
0xa4: {  	s25 =	simm.s32 $0x1B8E;
	s24 =	sld [smem:$0x3FFE];
	[sflag:s23] =	ssyncadd.s32 $0xFFFFFFFF  }
0xa5: {  	s26 =	simm.s32 $execute0_lowered;
	[smem:$0x3FD2] =	sst s25  }
0xa6: {  	s5 =	sshll.u32 s26, $0x1;
	_ =	strace $0x80000046;
	[dreg:$0x1] =	wrdreg $0xFFFFFFFF  }
0xa7: {  	s28 =	simm.s32 $_size_execute0_lowered;
	s3 =	sadd.s32 s3, s5;
	[dreg:$0x0] =	wrdreg $0x0  }
0xa8: {  	s5 =	sshll.u32 s28, $0x1;
	[dreg:$0x2] =	wrdreg s3  }
0xa9: {  	[dreg:$0x3] =	wrdreg s5  }
0xaa: {  	[dreg:$0x4] =	wrdreg $0xC0  }
0xab: {  	_ =	task [dreg:s7], $0x5FFFF  }
0xac: {  	[dreg:$0x1] =	wrdreg $0xFFFFFFFF  }
0xad: {  	[dreg:$0x0] =	wrdreg $0x60  }
0xae: {  	[dreg:$0x2] =	wrdreg s2  }
0xaf: {  	[dreg:$0x3] =	wrdreg s24  }
0xb0: {  	[dreg:$0x4] =	wrdreg $0x9  }
0xb1: {  	_ =	task.clear_ibuf [dreg:s7], $0x5FFFF;
	_ =	strace $0x90000046  }
0xb2: {  	s29 =	simm.s32 $0x9;
	_ =	strace $0x80000048  }
0xb3: {  	_ =	swait.ge [sflag:s29], $0x1  }
0xb4: {  	[sflag:s29] =	ssyncadd.s32 $0xFFFFFFFF  }
0xb5: {  	_ =	strace $0x90000048  }
0xb6: {  	_ =	sfence  }
0xb7: {  	s30 =	sld [smem:$0x0];
	_ =	sdelay $0x2  }
0xb8: {  	s31 =	sshll.u32 s1, $0xD;
	s1 =	sshrl.u32 s1, $0x2  }
0xb9: {  	s3 =	sand.u32 $0x4000, s31;
	s1 =	sadd.s32 s1, s30  }
0xba: {  	s0 =	sor.u32 s3, s0;
	s1 =	sshll.u32 s1, $0x11  }
0xbb: {  	s0 =	sor.u32 s1, s0  }
0xbc: {  	s0 =	sadd.s32 $0x8F2B, s0  }
0xbd: {  	[sflag:s0] =	ssyncadd.remote.s32 $0x1  }
0xbe: {  	_ =	sfence.sel $0xFFFF  }
0xbf: {  	[dreg:$0x0] =	wrdreg $0xFFFFFFFF;
	(pc) =	sbr.abs _section_cstart, $3  }
0xc0: {  	[dreg:$0x1] =	wrdreg $0xFFFFFFFF  }
0xc1: {  	_ =	task.clear_ibuf [dreg:s7], $0x2FFFF;
	_ =	strace $0x9FFFFFFF  }
0xc2: {  	(tm) =	ssettm $0x7FFFFFFF  }
0xc3: {  	_ =	shalt  }
tec
execute0_lowered:
.L_overlay_start_1:
0x0: {  	(tag) =	ssettag $0x1  }
0x1: {  	s1 =	srdreg.scid;
	s2 =	rddreg [dreg:$0x0]  }
0x2: {  	s0 =	stileid.u32;
	s6 =	rddreg [dreg:$0x1]  }
0x3: {  	s4 =	simm.s32 $0x1;
	s3 =	simm.s32 $0x0;
	s14 =	simm.s32 $0x2  }
0x4: {  	s7 =	sand.u32 $0x1, s1;
	s31 =	sshll.u32 s0, $0x1;
	s1 =	rddreg [dreg:$0x2]  }
0x5: {  	[smem:$0x7FF] =	sst s3;
	s5 =	sor.u32 s7, s31;
	p0 =	seq.s32 s7, $0x1  }
0x6: {  	_ =	strace $0x80000047;
	s10 =	ssub.s32 $0x2, s7;
	p1 =	seq.s32 s5, $0x0  }
0x7: {  	s5 =	sshll.u32 s5, $0x5;
	s11 =	sshrl.u32 s10, $0x1;
	p1 =	por !p1, !p0  }
0x8: {  	s12 =	sadd.s32 s5, s6;
	s10 =	ssub.s32 s10, s11;
	p1 =	por !p1, !p1  }
0x9: {  	s11 =	simm.s32 $0x200;
	s4 =	simm.s32 @!p1 $0x0;
	p1 =	seq.s32 @!p0 s7, $0x0  }
0xa: {  	s7 =	sadd.s32 $0xA00, s12;
	s12 =	simm.s32 $0x180;
	s8 =	ssub.s32 s0, s4  }
0xb: {  	s4 =	simm.s32 $0x1;
	p1 =	por p0, !p1;
	s9 =	sshll.u32 s8, $0x5  }
0xc: {  	s13 =	sshll.u32 s8, $0x12;
	s8 =	smax.u32 s10, $0x1;
	s9 =	sand.u32 $0x1FFFFFE0, s9  }
0xd: {  	s10 =	simm.s32 $0x100;
	v0 =	vmov s13;
	s13 =	simm.s32 $0x280;
	s9 =	sadd.s32 s9, s6  }
0xe: {  	s5 =	sadd.s32 $0x600, s9;
	s6 =	sadd.s32 $0x800, s9;
	s9 =	simm.s32 $0x80  }
.LBB2_1:
0xf: {  	s15 =	simm.s32 @!p0 $0x0  }
0x10: {  	[tilespmem:s15], [sflag:$0x2] =	stream.linear.gather @!p0 [hbm4b:s5+s15], $0x100, $0x38;
	[tilespmem:$0x300] =	vst v63  }
0x11: {  	s15 =	simm.s32 @!p0 $0x2  }
0x12: {  	_ =	swait.ge @!p0 [sflag:s15], $0x100  }
0x13: {  	[sflag:s15] =	ssyncset.done @!p0 $0x0  }
0x14: {  	[sflag:s15] =	ssyncadd.s32 @!p0 $0xFFFFFF00  }
0x15: {  	[tilespmem:s3], [sflag:$0x2] =	stream.linear.gather @p1 [hbm4b:s6+s3], $0x100, $0x38;
	[tilespmem:$0x300] =	vst v63  }
0x16: {  	_ =	swait.ge @p1 [sflag:s14], $0x100  }
0x17: {  	[sflag:s14] =	ssyncset.done @p1 $0x0  }
0x18: {  	[sflag:s14] =	ssyncadd.s32 @p1 $0xFFFFFF00  }
0x19: {  	v1 =	vld [tilespmem:$0x0]  }
0x1a: {  	v2 =	vld [tilespmem:$0x10]  }
0x1b: {  	v7 =	vld [tilespmem:$0x20]  }
0x1c: {  	v50 =	vld [tilespmem:$0x30]  }
0x1d: {  	v53 =	vld [tilespmem:$0x40]  }
0x1e: {  	v11 =	vld [tilespmem:$0x50];
	v3 =	vshra.s32 v1, $0x7  }
0x1f: {  	v58 =	vld [tilespmem:$0x60];
	v4 =	vshrl.u32 v1, $0x9;
	v5 =	vshll.u32 v1, $0x3;
	v1 =	vand.u32 $0x7F, v1  }
0x20: {  	v63 =	vld [tilespmem:$0x70];
	v6 =	vand.u32 $0x7F, v2;
	v8 =	vshrl.u32 v2, $0x9;
	v51 =	vshrl.u32 v7, $0x9  }
0x21: {  	v14 =	vld [tilespmem:$0x80];
	v52 =	vand.u32 $0x7F, v7;
	v54 =	vshra.s32 v50, $0x7;
	v56 =	vshrl.u32 v50, $0x9  }
0x22: {  	v23 =	vld [tilespmem:$0x90];
	v9 =	vshll.u32 v50, $0x3;
	v57 =	vshra.s32 v53, $0x7;
	v10 =	vand.u32 $0x7F, v53  }
0x23: {  	v29 =	vld [tilespmem:$0xA0];
	v12 =	vshrl.u32 v53, $0x9;
	v60 =	vshra.s32 v11, $0x7;
	v61 =	vshrl.u32 v11, $0x9  }
0x24: {  	v17 =	vld [tilespmem:$0xB0];
	v62 =	vand.u32 $0x7F, v11;
	v11 =	vshll.u32 v11, $0x3;
	v18 =	vshra.s32 v58, $0x7  }
0x25: {  	v35 =	vld [tilespmem:$0xC0];
	v20 =	vshrl.u32 v58, $0x9;
	v21 =	vshll.u32 v58, $0x3;
	v22 =	vshra.s32 v63, $0x7  }
0x26: {  	v41 =	vld [tilespmem:$0xD0];
	v13 =	vand.u32 $0x7F, v63;
	v15 =	vshrl.u32 v63, $0x9;
	v26 =	vshra.s32 v14, $0x7  }
0x27: {  	v27 =	vshrl.u32 v14, $0x9;
	v28 =	vand.u32 $0x7F, v14;
	v14 =	vshll.u32 v14, $0x3  }
0x28: {  	v30 =	vshra.s32 v23, $0x7;
	v32 =	vshrl.u32 v23, $0x9;
	v33 =	vshll.u32 v23, $0x3  }
0x29: {  	v34 =	vshra.s32 v29, $0x7;
	v16 =	vand.u32 $0x7F, v29;
	v38 =	vshra.s32 v17, $0x7  }
0x2a: {  	v39 =	vshrl.u32 v17, $0x9;
	v40 =	vand.u32 $0x7F, v17;
	v42 =	vshra.s32 v35, $0x7  }
0x2b: {  	v43 =	vand.u32 $0x7F, v35;
	v46 =	vshra.s32 v41, $0x7;
	v47 =	vand.u32 $0x7F, v41  }
0x2c: {  	v48 =	vshrl.u32 v41, $0x9;
	v3 =	vand.u32 $0xFFFFF000, v3;
	v4 =	vand.u32 $0x380, v4  }
0x2d: {  	v5 =	vand.u32 $0x7FC00, v5;
	v1 =	vor.u32 v0, v1;
	v6 =	vor.u32 v0, v6  }
0x2e: {  	v8 =	vand.u32 $0x380, v8;
	v55 =	vand.u32 $0xFFFFF000, v54;
	v9 =	vand.u32 $0x7FC00, v9  }
0x2f: {  	v10 =	vor.u32 v0, v10;
	v12 =	vand.u32 $0x380, v12;
	v11 =	vand.u32 $0x7FC00, v11  }
0x30: {  	v19 =	vand.u32 $0xFFFFF000, v18;
	v13 =	vor.u32 v0, v13;
	v15 =	vand.u32 $0x380, v15  }
0x31: {  	v14 =	vand.u32 $0x7FC00, v14;
	v31 =	vand.u32 $0xFFFFF000, v30;
	v18 =	vshrl.u32 v29, $0x9  }
0x32: {  	v16 =	vor.u32 v0, v16;
	v1 =	vadd.s32 v3, v1;
	v3 =	vshra.s32 v2, $0x7  }
0x33: {  	v2 =	vshll.u32 v2, $0x3;
	v18 =	vand.u32 $0x380, v18;
	v3 =	vand.u32 $0xFFFFF000, v3  }
0x34: {  	v1 =	vor.u32 v4, v1;
	v2 =	vand.u32 $0x7FC00, v2;
	v4 =	vand.u32 $0x380, v51  }
0x35: {  	v51 =	vshll.u32 v35, $0x3;
	v3 =	vadd.s32 v3, v6;
	v1 =	vadd.s32 v5, v1  }
0x36: {  	v49 =	vld [tilespmem:$0xE0];
	v5 =	vor.u32 v0, v52;
	v6 =	vand.u32 $0x7F, v50;
	v50 =	vshll.u32 v17, $0x3  }
0x37: {  	v52 =	vshll.u32 v41, $0x3;
	v3 =	vor.u32 v8, v3;
	v6 =	vor.u32 v0, v6  }
0x38: {  	v8 =	vshll.u32 v53, $0x3;
	v54 =	vand.u32 $0x7FC00, v52;
	v2 =	vadd.s32 v2, v3  }
0x39: {  	v3 =	vshra.s32 v7, $0x7;
	v7 =	vshll.u32 v7, $0x3;
	v59 =	vand.u32 $0x7FC00, v8  }
0x3a: {  	v53 =	vld [tilespmem:$0xF0];
	v8 =	vor.u32 v0, v62;
	v3 =	vand.u32 $0xFFFFF000, v3;
	v7 =	vand.u32 $0x7FC00, v7  }
0x3b: {  	v3 =	vadd.s32 v3, v5;
	v5 =	vand.u32 $0x380, v56;
	v56 =	vshrl.u32 v49, $0x9  }
0x3c: {  	v3 =	vor.u32 v4, v3;
	v4 =	vadd.s32 v55, v6;
	v6 =	vand.u32 $0xFFFFF000, v57  }
0x3d: {  	v55 =	vshra.s32 v49, $0x7;
	v57 =	vand.u32 $0x7F, v49;
	v6 =	vadd.s32 v6, v10  }
0x3e: {  	v4 =	vor.u32 v5, v4;
	v3 =	vadd.s32 v7, v3;
	v7 =	vand.u32 $0x380, v61  }
0x3f: {  	v10 =	vand.u32 $0x7F, v58;
	v58 =	vshra.s32 v53, $0x7;
	v62 =	vshrl.u32 v53, $0x9  }
0x40: {  	v6 =	vor.u32 v12, v6;
	v4 =	vadd.s32 v9, v4;
	v12 =	vand.u32 $0x7FC00, v21  }
0x41: {  	v10 =	vor.u32 v0, v10;
	v9 =	vshll.u32 v63, $0x3;
	[tilespmem:$0x120] =	vst v3;
	v3 =	vand.u32 $0xFFFFF000, v46  }
0x42: {  	v63 =	vshll.u32 v53, $0x3;
	v5 =	vadd.s32 v59, v6;
	v6 =	vand.u32 $0xFFFFF000, v60  }
0x43: {  	v24 =	vand.u32 $0x7FC00, v9;
	v9 =	vand.u32 $0xFFFFF000, v26;
	[tilespmem:$0x130] =	vst v4;
	v4 =	vand.u32 $0x7FC00, v50  }
0x44: {  	v59 =	vand.u32 $0x7F, v53;
	v60 =	vand.u32 $0xFFFFF000, v58;
	v6 =	vadd.s32 v6, v8  }
0x45: {  	v8 =	vand.u32 $0x380, v20;
	[tilespmem:$0x140] =	vst v5;
	v5 =	vand.u32 $0x7FC00, v51;
	v61 =	vor.u32 v0, v59  }
0x46: {  	v6 =	vor.u32 v7, v6;
	v7 =	vadd.s32 v19, v10;
	v10 =	vand.u32 $0xFFFFF000, v22  }
0x47: {  	v19 =	vshrl.u32 v35, $0x9;
	v10 =	vadd.s32 v10, v13;
	v7 =	vor.u32 v8, v7  }
0x48: {  	v6 =	vadd.s32 v11, v6;
	v11 =	vor.u32 v0, v28;
	v13 =	vand.u32 $0x7F, v23  }
0x49: {  	v44 =	vand.u32 $0x380, v19;
	v25 =	vor.u32 v15, v10;
	v7 =	vadd.s32 v12, v7  }
0x4a: {  	v10 =	vand.u32 $0x380, v27;
	v9 =	vadd.s32 v9, v11;
	v11 =	vand.u32 $0x380, v32  }
0x4b: {  	v15 =	vand.u32 $0x7FC00, v33;
	v13 =	vor.u32 v0, v13;
	v12 =	vshll.u32 v29, $0x3  }
0x4c: {  	[tilespmem:$0x150] =	vst v6;
	v6 =	vor.u32 v0, v57;
	v8 =	vadd.s32 v24, v25;
	v9 =	vor.u32 v10, v9  }
0x4d: {  	v10 =	vadd.s32 v31, v13;
	v13 =	vand.u32 $0xFFFFF000, v34;
	v36 =	vand.u32 $0x7FC00, v12  }
0x4e: {  	v12 =	vand.u32 $0xFFFFF000, v38;
	v13 =	vadd.s32 v13, v16;
	v10 =	vor.u32 v11, v10  }
0x4f: {  	[tilespmem:$0x100] =	vst v1;
	v9 =	vadd.s32 v14, v9;
	v14 =	vor.u32 v0, v40;
	v37 =	vor.u32 v18, v13  }
0x50: {  	[tilespmem:$0x110] =	vst v2;
	v10 =	vadd.s32 v15, v10;
	v13 =	vand.u32 $0x380, v39;
	v12 =	vadd.s32 v12, v14  }
0x51: {  	[tilespmem:$0x160] =	vst v7;
	v14 =	vand.u32 $0xFFFFF000, v42;
	v18 =	vor.u32 v0, v43;
	v11 =	vadd.s32 v36, v37  }
0x52: {  	[tilespmem:$0x170] =	vst v8;
	v1 =	vor.u32 v13, v12;
	v45 =	vadd.s32 v14, v18;
	v13 =	vor.u32 v0, v47  }
0x53: {  	[tilespmem:$0x180] =	vst v9;
	v12 =	vand.u32 $0x380, v48;
	v2 =	vor.u32 v44, v45;
	v3 =	vadd.s32 v3, v13  }
0x54: {  	[tilespmem:$0x190] =	vst v10;
	v1 =	vadd.s32 v4, v1;
	v4 =	vand.u32 $0xFFFFF000, v55;
	v3 =	vor.u32 v12, v3  }
0x55: {  	[tilespmem:$0x1A0] =	vst v11;
	v2 =	vadd.s32 v5, v2;
	v5 =	vand.u32 $0x380, v56;
	v4 =	vadd.s32 v4, v6  }
0x56: {  	[tilespmem:$0x1B0] =	vst v1;
	v1 =	vshll.u32 v49, $0x3;
	v3 =	vadd.s32 v54, v3;
	v4 =	vor.u32 v5, v4  }
0x57: {  	v5 =	vadd.s32 v60, v61;
	[tilespmem:$0x1C0] =	vst v2;
	v1 =	vand.u32 $0x7FC00, v1;
	v2 =	vand.u32 $0x380, v62  }
0x58: {  	[tilespmem:$0x1D0] =	vst v3;
	v1 =	vadd.s32 v1, v4;
	v3 =	vand.u32 $0x7FC00, v63;
	v2 =	vor.u32 v2, v5  }
0x59: {  	[tilespmem:$0x1E0] =	vst v1;
	v1 =	vadd.s32 v3, v2  }
0x5a: {  	[tilespmem:$0x1F0] =	vst v1  }
0x5b: {  	[tilespmem:s11], [sflag:$0x1] =	stream.indirect.gather [hbm4b:s2+s9], $0x1, s10, s9, $0xb8;
	[tilespmem:$0x300] =	vst v63  }
0x5c: {  	_ = 	snop  }
0x5d: {  	[tilespmem:s13], [sflag:$0x1] =	stream.indirect.gather [hbm4b:s2+s9], $0x1, s12, s9, $0xb8;
	[tilespmem:$0x300] =	vst v63  }
0x5e: {  	_ =	swait.ge [sflag:s4], $0x80  }
0x5f: {  	[sflag:s4] =	ssyncset.done $0x0  }
0x60: {  	[sflag:s4] =	ssyncadd.s32 $0xFFFFFF80  }
0x61: {  	s8 =	sadd.s32 $0xFFFFFFFF, s8;
	_ =	swait.ge [sflag:s4], $0x80  }
0x62: {  	p2 =	sne.s32 s8, $0x0;
	[sflag:s4] =	ssyncset.done $0x0  }
.Ltmp0:
0x63: {  	[sflag:s4] =	ssyncadd.s32 $0xFFFFFF80;
	(pc) =	sbr.rel @p2 .LBB2_1-.Ltmp0, $4  }
0x64: {  	[hbm4b:s7+s3] =	stream.linear.scatter [tilespmem:s11], [sflag:$0x2], $0x100, $0x38;
	[tilespmem:$0x300] =	vst v63  }
0x65: {  	_ =	swait.ge [sflag:s14], $0x100  }
0x66: {  	[sflag:s14] =	ssyncset.done $0x0  }
0x67: {  	[sflag:s14] =	ssyncadd.s32 $0xFFFFFF00  }
0x68: {  	_ =	sfence.sel $0x180000  }
0x69: {  	[bflag:$0x0] =	sbarrier.arrive $0xFFFF  }
0x6a: {  	p0 =	sne.s32 s0, $0x0;
	_ =	strace $0x90000047  }
0x6b: {  	s0 =	sadd.s32 @!p0 $0x100000, s1;
	[bflag:$0x2] =	sbarrier.arrive $0xFFFF  }
0x6c: {  	[sflag:s0] =	ssyncadd.tile.s32 @!p0 $0x1;
	_ =	shalt  }
.Lfunc_end2:
_tile_overlayer_lowered:
.L_overlay_start_2:
0x6d: {  	(tag) =	ssettag $0x2  }
0x6e: {  	s0 =	rddreg [dreg:$0x0];
	s2 =	stileid.u32  }
0x6f: {  	s1 =	rddreg [dreg:$0x1];
	p0 =	sne.s32 s2, $0x0  }
0x70: {  	s3 =	rddreg [dreg:$0x2];
	[bflag:$0x3] =	sbarrier.arrive $0xFFFF;
	s2 =	simm.s32 @!p0 $0x1C02  }
0x71: {  	[timem:s3], [sflag:s2] =	dma.local @!p0 [hbm:s0], s1  }
0x72: {  	s0 =	simm.s32 @!p0 $0x2  }
0x73: {  	_ =	swait.ge @!p0 [sflag:s0], s1  }
0x74: {  	s1 =	ssub.s32 @!p0 $0x0, s1;
	[sflag:s0] =	ssyncset.done @!p0 $0x0  }
0x75: {  	[sflag:s0] =	ssyncadd.s32 @!p0 s1  }
0x76: {  	[bflag:$0x3] =	sbarrier.arrive $0xFFFF  }
0x77: {  	_ =	shalt  }

</sc_bundles>
